<compile_context>
chip_gen: v7x
topology: tpu7x:2x2x1
jax: 0.10.2.dev20260603
libtpu: 0.0.44.dev20260713+nightly
codegen_flags: <defaults>
</compile_context>

<pallas_src>
import functools

import jax
import jax.numpy as jnp
from jax import lax
from jax.experimental import pallas as pl
from jax.experimental.pallas import tpu as pltpu
from jax.experimental.pallas import tpu_sc as plsc

N = 3_200_000
F = 16
NC, NS, L = 2, 16, 16
NW = NC * NS
NT = N // 128
EB = 16
EC = EB * 128
NCH = -(-NT // EB)
RING = 4
GROUPS = EC // L

_mesh = plsc.VectorSubcoreMesh(
    core_axis_name="c", subcore_axis_name="s", num_cores=NC, num_subcores=NS
)


@functools.partial(
    pl.kernel,
    out_type=jax.ShapeDtypeStruct((N,), jnp.float32),
    mesh=_mesh,
    scratch_types=[
        pltpu.VMEM((RING, 6, EC), jnp.float32),
        pltpu.VMEM((RING * EC,), jnp.float32),
        pltpu.VMEM((RING, 4, EC), jnp.float32),
        pltpu.VMEM((RING * EC,), jnp.float32),
        pltpu.VMEM((32,), jnp.float32),
        pltpu.SemaphoreType.DMA((RING,)),
        pltpu.SemaphoreType.DMA((RING,)),
        pltpu.SemaphoreType.DMA((RING,)),
        pltpu.SemaphoreType.DMA((RING,)),
    ],
    compiler_params=pltpu.CompilerParams(
        needs_layout_passes=False, use_tc_tiling_on_sc=True
    ),
)
def _mask_kernel(
    feat_hbm, phys_hbm, out_hbm,
    f05, f10, f1215, obuf, sbuf, asem, bsem, csem, osem,
):
    wid = lax.axis_index("s") * NC + lax.axis_index("c")
    c0 = wid * NCH // NW
    c1 = (wid + 1) * NCH // NW
    nchunks = c1 - c0
    pltpu.sync_copy(phys_hbm, sbuf)

    def bcast(i):
        return plsc.load_gather(sbuf, [jnp.full((L,), i, jnp.int32)])

    VEL = bcast(2)
    WC = bcast(5)
    KE = bcast(9)
    CJ = bcast(16)
    CWJ = bcast(17)
    CJLT = CJ < 0.5
    S2 = (WC < 0.5) | (VEL < 0.1)
    S4 = (WC < 0.5) | ((CWJ < 0.5) & (VEL < 1.0))
    ZERO = jnp.zeros((L,), jnp.float32)
    ONE = jnp.ones((L,), jnp.float32)

    def e_of(k):
        return jnp.minimum((c0 + k) * EB, NT - EB) * 128

    def in_copies(k, slot):
        e0 = e_of(k)
        return (
            pltpu.make_async_copy(
                feat_hbm.at[pl.ds(0, 6), pl.ds(e0, EC)], f05.at[slot], asem.at[slot]
            ),
            pltpu.make_async_copy(
                feat_hbm.at[10, pl.ds(e0, EC)],
                f10.at[pl.ds(slot * EC, EC)],
                bsem.at[slot],
            ),
            pltpu.make_async_copy(
                feat_hbm.at[pl.ds(12, 4), pl.ds(e0, EC)],
                f1215.at[slot],
                csem.at[slot],
            ),
        )

    def out_copy(k, slot):
        return pltpu.make_async_copy(
            obuf.at[pl.ds(slot * EC, EC)],
            out_hbm.at[pl.ds(e_of(k), EC)],
            osem.at[slot],
        )

    for j in range(RING - 1):
        for c in in_copies(jnp.int32(j), jnp.int32(j)):
            c.start()

    def chunk_body(k, carry):
        slot = k % RING

        @pl.when(k + (RING - 1) < nchunks)
        def _prefetch():
            for c in in_copies(k + (RING - 1), (k + (RING - 1)) % RING):
                c.start()

        for c in in_copies(k, slot):
            c.wait()

        @pl.when(k >= RING)
        def _drain_out():
            out_copy(k - RING, slot).wait()

        fa = f05.at[slot]
        fc = f1215.at[slot]

        @plsc.parallel_loop(0, GROUPS, unroll=4)
        def group_body(g):
            off = g * L
            f0 = fa[0, pl.ds(off, L)]
            f1 = fa[1, pl.ds(off, L)]
            f2 = fa[2, pl.ds(off, L)]
            f3 = fa[3, pl.ds(off, L)]
            f4 = fa[4, pl.ds(off, L)]
            f5 = fa[5, pl.ds(off, L)]
            ec = f10[pl.ds(slot * EC + off, L)]
            minv = fc[0, pl.ds(off, L)]
            maxv = fc[1, pl.ds(off, L)]
            rj = fc[2, pl.ds(off, L)]
            rwc = fc[3, pl.ds(off, L)]
            m = jnp.maximum(
                jnp.maximum(jnp.maximum(f0, f1), jnp.maximum(f2, f3)),
                jnp.maximum(f4, f5),
            )
            nf0 = f0 < m
            nf1 = f1 < m
            nf2 = f2 < m
            nf3 = f3 < m
            et1 = nf0 & (~nf1)
            et3 = nf0 & nf1 & nf2 & (~nf3)
            b3 = rj > 0.5
            b4 = rwc > 0.5
            br1 = et1 & CJLT
            velminv = VEL < minv
            d2 = et3 & S2
            nb12 = (~br1) & (~et3)
            d3 = nb12 & b3 & (CJLT | velminv)
            nb123 = nb12 & (~b3)
            d4 = nb123 & b4 & S4
            d5 = nb123 & (~b4) & et1 & (KE < ec * 0.5)
            extra = ((maxv > 0.0) & (VEL > maxv)) | velminv
            dis = br1 | d2 | d3 | d4 | d5 | extra
            obuf[pl.ds(slot * EC + off, L)] = jnp.where(dis, ZERO, ONE)

        out_copy(k, slot).start()
        return carry

    lax.fori_loop(0, nchunks, chunk_body, 0)
    for j in range(RING):
        kk = nchunks - RING + j
        out_copy(kk, kk % RING).wait()


def kernel(edge_features, ninja_physics_state, base_edge_mask):
    del base_edge_mask
    phys = jnp.pad(ninja_physics_state, (0, 32 - 18))
    return _mask_kernel(edge_features.T, phys)

# --- scband reference (transcript-rebuilt; emitter-appended) ---
"""Pipeline reference for scband-conditional-edge-masker-25924422599238 (READ-ONLY COPY).

The authoritative reference and input builder live on the scoring server;
editing this copy changes nothing except your own understanding.
"""

import jax, jax.numpy as jnp
import numpy as np

# EdgeType is undefined in the original source; assume the conventional enum
# ordering WALK=0, JUMP=1, FALL=2, WALL_SLIDE=3, WALL_JUMP=4, FUNCTIONAL=5.
EDGE_JUMP = 1
EDGE_WALL_SLIDE = 3
PHYS_THR = 0.5            # PHYSICS_STATE_THRESHOLD
MIN_VEL_THR = 0.1         # MIN_VELOCITY_THRESHOLD
MIN_WALL_JUMP_SPEED = 1.0
MIN_JUMP_ENERGY = 0.5

NUM_EDGES = 3200000


def setup_inputs(seed: int = 0) -> dict:
    key = jax.random.key(seed)
    k1, k2 = jax.random.split(key)
    edge_features = jax.random.uniform(k1, (NUM_EDGES, 16), dtype=jnp.float32)
    ninja_physics_state = jax.random.uniform(k2, (18,), dtype=jnp.float32)
    base_edge_mask = jnp.ones((NUM_EDGES,), dtype=jnp.float32)
    return {
        "edge_features": edge_features,
        "ninja_physics_state": ninja_physics_state,
        "base_edge_mask": base_edge_mask,
    }


def reference(edge_features, ninja_physics_state, base_edge_mask):
    # Scalar physics state (single-graph path, edge_features.dim() == 2).
    vel_magnitude = ninja_physics_state[2]
    wall_contact = ninja_physics_state[5]
    kinetic_energy = ninja_physics_state[9]
    can_jump = ninja_physics_state[16]
    can_wall_jump = ninja_physics_state[17]

    edge_type = jnp.argmax(edge_features[:, :6], axis=1)
    energy_cost = edge_features[:, 10]
    min_velocity = edge_features[:, 12]
    max_velocity = edge_features[:, 13]
    requires_jump = edge_features[:, 14]
    requires_wall_contact = edge_features[:, 15]

    # Faithful vectorization of the per-edge if/elif chain.
    br1 = (edge_type == EDGE_JUMP) & (can_jump < PHYS_THR)
    br2 = edge_type == EDGE_WALL_SLIDE
    br3 = requires_jump > PHYS_THR
    br4 = requires_wall_contact > PHYS_THR
    br5 = edge_type == EDGE_JUMP

    d1 = br1
    d2 = (~br1) & br2 & ((wall_contact < PHYS_THR) | (vel_magnitude < MIN_VEL_THR))
    d3 = (~br1) & (~br2) & br3 & ((can_jump < PHYS_THR) | (vel_magnitude < min_velocity))
    d4 = (~br1) & (~br2) & (~br3) & br4 & (
        (wall_contact < PHYS_THR)
        | ((can_wall_jump < PHYS_THR) & (vel_magnitude < MIN_WALL_JUMP_SPEED))
    )
    d5 = (~br1) & (~br2) & (~br3) & (~br4) & br5 & (
        kinetic_energy < energy_cost * MIN_JUMP_ENERGY
    )

    # Unconditional velocity-bounds check (if / elif chain simplifies to OR).
    extra = ((max_velocity > 0.0) & (vel_magnitude > max_velocity)) | (
        vel_magnitude < min_velocity
    )

    should_disable = d1 | d2 | d3 | d4 | d5 | extra
    # Only edges active in the base mask are ever modified.
    disable = should_disable & (base_edge_mask != 0)
    return jnp.where(disable, jnp.float32(0.0), base_edge_mask)

if __name__ == "__main__":
    import jax
    _d = setup_inputs()
    print(jax.jit(kernel)(*tuple(_d.values())))

</pallas_src>

<mosaic_0001>
#map = affine_map<(d0, d1) -> (0, 0)>
#map1 = affine_map<(d0, d1) -> (0)>
module attributes {stable_mosaic.version = 14 : i64} {
  func.func @_mask_kernel(%arg0: i32, %arg1: i32, %arg2: memref<16x3200000xf32, #tpu.memory_space<hbm>>, %arg3: memref<32xf32, #tpu.memory_space<hbm>>, %arg4: memref<3200000xf32, #tpu.memory_space<hbm>>, %arg5: memref<4x6x2048xf32, #tpu.memory_space<vmem>>, %arg6: memref<8192xf32, #tpu.memory_space<vmem>>, %arg7: memref<4x4x2048xf32, #tpu.memory_space<vmem>>, %arg8: memref<8192xf32, #tpu.memory_space<vmem>>, %arg9: memref<32xf32, #tpu.memory_space<vmem>>, %arg10: memref<4x!tpu.dma_semaphore, #tpu.memory_space<semaphore_mem>>, %arg11: memref<4x!tpu.dma_semaphore, #tpu.memory_space<semaphore_mem>>, %arg12: memref<4x!tpu.dma_semaphore, #tpu.memory_space<semaphore_mem>>, %arg13: memref<4x!tpu.dma_semaphore, #tpu.memory_space<semaphore_mem>>) attributes {dimension_semantics = [#tpu.dimension_semantics<core_parallel>, #tpu.dimension_semantics<subcore_parallel>], iteration_bounds = array<i64: 2, 16>, scalar_prefetch = 0 : i64, scratch_operands = 9 : i64, tpu.core_type = #tpu.core_type<sc_vector_subcore>, window_params = [{transform_indices = #map}, {transform_indices = #map1}, {transform_indices = #map1}]} {
    %mul3A = arith.constant 2 : i32
    %mul3A_0 = arith.muli %arg1, %mul3A : i32
    %add3A = arith.addi %mul3A_0, %arg0 : i32
    %mul3A_1 = arith.constant 1563 : i32
    %mul3A_2 = arith.muli %add3A, %mul3A_1 : i32
    %jit3A = arith.constant 32 : i32
    %div3A = arith.divsi %mul3A_2, %jit3A : i32
    %sign3A = arith.constant 0 : i32
    %sign3A_3 = arith.cmpi sgt, %mul3A_2, %sign3A : i32
    %sign3A_4 = arith.extui %sign3A_3 : i1 to i32
    %sign3A_5 = arith.constant 0 : i32
    %sign3A_6 = arith.cmpi slt, %mul3A_2, %sign3A_5 : i32
    %sign3A_7 = arith.extui %sign3A_6 : i1 to i32
    %sign3A_8 = arith.subi %sign3A_4, %sign3A_7 : i32
    %sign3A_9 = arith.constant 0 : i32
    %sign3A_10 = arith.cmpi sgt, %jit3A, %sign3A_9 : i32
    %sign3A_11 = arith.extui %sign3A_10 : i1 to i32
    %sign3A_12 = arith.constant 0 : i32
    %sign3A_13 = arith.cmpi slt, %jit3A, %sign3A_12 : i32
    %sign3A_14 = arith.extui %sign3A_13 : i1 to i32
    %sign3A_15 = arith.subi %sign3A_11, %sign3A_14 : i32
    %ne3A = arith.cmpi ne, %sign3A_8, %sign3A_15 : i32
    %rem3A = arith.remsi %mul3A_2, %jit3A : i32
    %ne3A_16 = arith.constant 0 : i32
    %ne3A_17 = arith.cmpi ne, %rem3A, %ne3A_16 : i32
    %and3A = arith.andi %ne3A, %ne3A_17 : i1
    %sub3A = arith.constant 1 : i32
    %sub3A_18 = arith.subi %div3A, %sub3A : i32
    %select_n3A = arith.select %and3A, %sub3A_18, %div3A : i32
    %add3A_19 = arith.constant 1 : i32
    %add3A_20 = arith.addi %add3A, %add3A_19 : i32
    %mul3A_21 = arith.constant 1563 : i32
    %mul3A_22 = arith.muli %add3A_20, %mul3A_21 : i32
    %jit3A_23 = arith.constant 32 : i32
    %div3A_24 = arith.divsi %mul3A_22, %jit3A_23 : i32
    %sign3A_25 = arith.constant 0 : i32
    %sign3A_26 = arith.cmpi sgt, %mul3A_22, %sign3A_25 : i32
    %sign3A_27 = arith.extui %sign3A_26 : i1 to i32
    %sign3A_28 = arith.constant 0 : i32
    %sign3A_29 = arith.cmpi slt, %mul3A_22, %sign3A_28 : i32
    %sign3A_30 = arith.extui %sign3A_29 : i1 to i32
    %sign3A_31 = arith.subi %sign3A_27, %sign3A_30 : i32
    %sign3A_32 = arith.constant 0 : i32
    %sign3A_33 = arith.cmpi sgt, %jit3A_23, %sign3A_32 : i32
    %sign3A_34 = arith.extui %sign3A_33 : i1 to i32
    %sign3A_35 = arith.constant 0 : i32
    %sign3A_36 = arith.cmpi slt, %jit3A_23, %sign3A_35 : i32
    %sign3A_37 = arith.extui %sign3A_36 : i1 to i32
    %sign3A_38 = arith.subi %sign3A_34, %sign3A_37 : i32
    %ne3A_39 = arith.cmpi ne, %sign3A_31, %sign3A_38 : i32
    %rem3A_40 = arith.remsi %mul3A_22, %jit3A_23 : i32
    %ne3A_41 = arith.constant 0 : i32
    %ne3A_42 = arith.cmpi ne, %rem3A_40, %ne3A_41 : i32
    %and3A_43 = arith.andi %ne3A_39, %ne3A_42 : i1
    %sub3A_44 = arith.constant 1 : i32
    %sub3A_45 = arith.subi %div3A_24, %sub3A_44 : i32
    %select_n3A_46 = arith.select %and3A_43, %sub3A_45, %div3A_24 : i32
    %sub3A_47 = arith.subi %select_n3A_46, %select_n3A : i32
    "tpu.region"() ({
      %run_scoped3A = tpu.sem_alloc : memref<!tpu.dma_semaphore, #tpu.memory_space<semaphore_mem>>
      tpu.enqueue_dma source(%arg3 : memref<32xf32, #tpu.memory_space<hbm>>) target(%arg9 : memref<32xf32, #tpu.memory_space<vmem>>) target_semaphore(%run_scoped3A : memref<!tpu.dma_semaphore, #tpu.memory_space<semaphore_mem>>)
      tpu.wait_dma2 semaphore(%run_scoped3A : memref<!tpu.dma_semaphore, #tpu.memory_space<semaphore_mem>>) src(%arg3 : memref<32xf32, #tpu.memory_space<hbm>>) dst(%arg9 : memref<32xf32, #tpu.memory_space<vmem>>)
      tpu.yield
    }) : () -> ()
    %broadcast_in_dim3A = arith.constant 2 : i32
    %broadcast_in_dim3A_48 = vector.broadcast %broadcast_in_dim3A : i32 to vector<16xi32>
    %gather3A = tpu.vector_load_idx %arg9[%broadcast_in_dim3A_48] : memref<32xf32, #tpu.memory_space<vmem>>[vector<16xi32>], vector<16xf32>,
    %broadcast_in_dim3A_49 = arith.constant 5 : i32
    %broadcast_in_dim3A_50 = vector.broadcast %broadcast_in_dim3A_49 : i32 to vector<16xi32>
    %gather3A_51 = tpu.vector_load_idx %arg9[%broadcast_in_dim3A_50] : memref<32xf32, #tpu.memory_space<vmem>>[vector<16xi32>], vector<16xf32>,
    %broadcast_in_dim3A_52 = arith.constant 9 : i32
    %broadcast_in_dim3A_53 = vector.broadcast %broadcast_in_dim3A_52 : i32 to vector<16xi32>
    %gather3A_54 = tpu.vector_load_idx %arg9[%broadcast_in_dim3A_53] : memref<32xf32, #tpu.memory_space<vmem>>[vector<16xi32>], vector<16xf32>,
    %broadcast_in_dim3A_55 = arith.constant 16 : i32
    %broadcast_in_dim3A_56 = vector.broadcast %broadcast_in_dim3A_55 : i32 to vector<16xi32>
    %gather3A_57 = tpu.vector_load_idx %arg9[%broadcast_in_dim3A_56] : memref<32xf32, #tpu.memory_space<vmem>>[vector<16xi32>], vector<16xf32>,
    %broadcast_in_dim3A_58 = arith.constant 17 : i32
    %broadcast_in_dim3A_59 = vector.broadcast %broadcast_in_dim3A_58 : i32 to vector<16xi32>
    %gather3A_60 = tpu.vector_load_idx %arg9[%broadcast_in_dim3A_59] : memref<32xf32, #tpu.memory_space<vmem>>[vector<16xi32>], vector<16xf32>,
    %lt3A = arith.constant 5.000000e-01 : f32
    %lt3A_61 = vector.broadcast %lt3A : f32 to vector<16xf32>
    %lt3A_62 = arith.cmpf olt, %gather3A_57, %lt3A_61 : vector<16xf32>
    %lt3A_63 = arith.constant 5.000000e-01 : f32
    %lt3A_64 = vector.broadcast %lt3A_63 : f32 to vector<16xf32>
    %lt3A_65 = arith.cmpf olt, %gather3A_51, %lt3A_64 : vector<16xf32>
    %lt3A_66 = arith.constant 1.000000e-01 : f32
    %lt3A_67 = vector.broadcast %lt3A_66 : f32 to vector<16xf32>
    %lt3A_68 = arith.cmpf olt, %gather3A, %lt3A_67 : vector<16xf32>
    %or3A = arith.ori %lt3A_65, %lt3A_68 : vector<16xi1>
    %lt3A_69 = arith.constant 5.000000e-01 : f32
    %lt3A_70 = vector.broadcast %lt3A_69 : f32 to vector<16xf32>
    %lt3A_71 = arith.cmpf olt, %gather3A_51, %lt3A_70 : vector<16xf32>
    %lt3A_72 = arith.constant 5.000000e-01 : f32
    %lt3A_73 = vector.broadcast %lt3A_72 : f32 to vector<16xf32>
    %lt3A_74 = arith.cmpf olt, %gather3A_60, %lt3A_73 : vector<16xf32>
    %lt3A_75 = arith.constant 1.000000e+00 : f32
    %lt3A_76 = vector.broadcast %lt3A_75 : f32 to vector<16xf32>
    %lt3A_77 = arith.cmpf olt, %gather3A, %lt3A_76 : vector<16xf32>
    %and3A_78 = arith.andi %lt3A_74, %lt3A_77 : vector<16xi1>
    %or3A_79 = arith.ori %lt3A_71, %and3A_78 : vector<16xi1>
    %broadcast_in_dim3A_80 = arith.constant 0.000000e+00 : f32
    %broadcast_in_dim3A_81 = vector.broadcast %broadcast_in_dim3A_80 : f32 to vector<16xf32>
    %broadcast_in_dim3A_82 = arith.constant 1.000000e+00 : f32
    %broadcast_in_dim3A_83 = vector.broadcast %broadcast_in_dim3A_82 : f32 to vector<16xf32>
    %add3A_84 = arith.constant 0 : i32
    %add3A_85 = arith.addi %select_n3A, %add3A_84 : i32
    %mul3A_86 = arith.constant 16 : i32
    %mul3A_87 = arith.muli %add3A_85, %mul3A_86 : i32
    %min3A = arith.constant 24984 : i32
    %min3A_88 = arith.minsi %mul3A_87, %min3A : i32
    %mul3A_89 = arith.constant 128 : i32
    %mul3A_90 = arith.muli %min3A_88, %mul3A_89 : i32
    %mul3A_91 = arith.constant 0 : i32
    %mul3A_92 = arith.constant 2048 : i32
    %mul3A_93 = arith.muli %mul3A_91, %mul3A_92 : i32
    %dma_start3A = arith.constant 0 : i32
    %dma_start3A_94 = arith.constant 0 : i32
    %dma_start3A_95 = arith.constant 0 : i32
    %dma_start3A_96 = arith.constant 0 : i32
    %dma_start3A_97 = tpu.memref_slice %arg5[%dma_start3A, %dma_start3A_95, %dma_start3A_96] : memref<4x6x2048xf32, #tpu.memory_space<vmem>> -> memref<1x6x2048xf32, #tpu.memory_space<vmem>>
    %dma_start3A_98 = tpu.memref_squeeze %dma_start3A_97 : memref<1x6x2048xf32, #tpu.memory_space<vmem>> -> memref<6x2048xf32, #tpu.memory_space<vmem>>
    %dma_start3A_99 = arith.constant 0 : i32
    %dma_start3A_100 = tpu.memref_slice %arg2[%dma_start3A_99, %mul3A_90] : memref<16x3200000xf32, #tpu.memory_space<hbm>> -> memref<6x2048xf32, #tpu.memory_space<hbm>>
    %dma_start3A_101 = tpu.memref_slice %arg10[%dma_start3A_94] : memref<4x!tpu.dma_semaphore, #tpu.memory_space<semaphore_mem>> -> memref<1x!tpu.dma_semaphore, #tpu.memory_space<semaphore_mem>>
    %dma_start3A_102 = tpu.memref_squeeze %dma_start3A_101 : memref<1x!tpu.dma_semaphore, #tpu.memory_space<semaphore_mem>> -> memref<!tpu.dma_semaphore, #tpu.memory_space<semaphore_mem>>
    %dma_start3A_103 = arith.constant 0 : i32
    %dma_start3A_104 = arith.constant 0 : i32
    %dma_start3A_105 = tpu.memref_slice %arg5[%dma_start3A, %dma_start3A_103, %dma_start3A_104] : memref<4x6x2048xf32, #tpu.memory_space<vmem>> -> memref<1x6x2048xf32, #tpu.memory_space<vmem>>
    %dma_start3A_106 = tpu.memref_squeeze %dma_start3A_105 : memref<1x6x2048xf32, #tpu.memory_space<vmem>> -> memref<6x2048xf32, #tpu.memory_space<vmem>>
    %dma_start3A_107 = arith.constant 0 : i32
    %dma_start3A_108 = tpu.memref_slice %arg2[%dma_start3A_107, %mul3A_90] : memref<16x3200000xf32, #tpu.memory_space<hbm>> -> memref<6x2048xf32, #tpu.memory_space<hbm>>
    tpu.enqueue_dma source(%dma_start3A_108 : memref<6x2048xf32, #tpu.memory_space<hbm>>) target(%dma_start3A_106 : memref<6x2048xf32, #tpu.memory_space<vmem>>) target_semaphore(%dma_start3A_102 : memref<!tpu.dma_semaphore, #tpu.memory_space<semaphore_mem>>)
    %dma_start3A_109 = arith.constant 10 : i32
    %dma_start3A_110 = arith.constant 0 : i32
    %dma_start3A_111 = tpu.memref_slice %arg6[%mul3A_93] : memref<8192xf32, #tpu.memory_space<vmem>> -> memref<2048xf32, #tpu.memory_space<vmem>>
    %dma_start3A_112 = tpu.memref_slice %arg2[%dma_start3A_109, %mul3A_90] : memref<16x3200000xf32, #tpu.memory_space<hbm>> -> memref<1x2048xf32, #tpu.memory_space<hbm>>
    %dma_start3A_113 = tpu.memref_squeeze %dma_start3A_112 : memref<1x2048xf32, #tpu.memory_space<hbm>> -> memref<2048xf32, #tpu.memory_space<hbm>>
    %dma_start3A_114 = tpu.memref_slice %arg11[%dma_start3A_110] : memref<4x!tpu.dma_semaphore, #tpu.memory_space<semaphore_mem>> -> memref<1x!tpu.dma_semaphore, #tpu.memory_space<semaphore_mem>>
    %dma_start3A_115 = tpu.memref_squeeze %dma_start3A_114 : memref<1x!tpu.dma_semaphore, #tpu.memory_space<semaphore_mem>> -> memref<!tpu.dma_semaphore, #tpu.memory_space<semaphore_mem>>
    %dma_start3A_116 = tpu.memref_slice %arg6[%mul3A_93] : memref<8192xf32, #tpu.memory_space<vmem>> -> memref<2048xf32, #tpu.memory_space<vmem>>
    %dma_start3A_117 = tpu.memref_slice %arg2[%dma_start3A_109, %mul3A_90] : memref<16x3200000xf32, #tpu.memory_space<hbm>> -> memref<1x2048xf32, #tpu.memory_space<hbm>>
    %dma_start3A_118 = tpu.memref_squeeze %dma_start3A_117 : memref<1x2048xf32, #tpu.memory_space<hbm>> -> memref<2048xf32, #tpu.memory_space<hbm>>
    tpu.enqueue_dma source(%dma_start3A_118 : memref<2048xf32, #tpu.memory_space<hbm>>) target(%dma_start3A_116 : memref<2048xf32, #tpu.memory_space<vmem>>) target_semaphore(%dma_start3A_115 : memref<!tpu.dma_semaphore, #tpu.memory_space<semaphore_mem>>)
    %dma_start3A_119 = arith.constant 0 : i32
    %dma_start3A_120 = arith.constant 0 : i32
    %dma_start3A_121 = arith.constant 0 : i32
    %dma_start3A_122 = arith.constant 0 : i32
    %dma_start3A_123 = tpu.memref_slice %arg7[%dma_start3A_119, %dma_start3A_121, %dma_start3A_122] : memref<4x4x2048xf32, #tpu.memory_space<vmem>> -> memref<1x4x2048xf32, #tpu.memory_space<vmem>>
    %dma_start3A_124 = tpu.memref_squeeze %dma_start3A_123 : memref<1x4x2048xf32, #tpu.memory_space<vmem>> -> memref<4x2048xf32, #tpu.memory_space<vmem>>
    %dma_start3A_125 = arith.constant 12 : i32
    %dma_start3A_126 = tpu.memref_slice %arg2[%dma_start3A_125, %mul3A_90] : memref<16x3200000xf32, #tpu.memory_space<hbm>> -> memref<4x2048xf32, #tpu.memory_space<hbm>>
    %dma_start3A_127 = tpu.memref_slice %arg12[%dma_start3A_120] : memref<4x!tpu.dma_semaphore, #tpu.memory_space<semaphore_mem>> -> memref<1x!tpu.dma_semaphore, #tpu.memory_space<semaphore_mem>>
    %dma_start3A_128 = tpu.memref_squeeze %dma_start3A_127 : memref<1x!tpu.dma_semaphore, #tpu.memory_space<semaphore_mem>> -> memref<!tpu.dma_semaphore, #tpu.memory_space<semaphore_mem>>
    %dma_start3A_129 = arith.constant 0 : i32
    %dma_start3A_130 = arith.constant 0 : i32
    %dma_start3A_131 = tpu.memref_slice %arg7[%dma_start3A_119, %dma_start3A_129, %dma_start3A_130] : memref<4x4x2048xf32, #tpu.memory_space<vmem>> -> memref<1x4x2048xf32, #tpu.memory_space<vmem>>
    %dma_start3A_132 = tpu.memref_squeeze %dma_start3A_131 : memref<1x4x2048xf32, #tpu.memory_space<vmem>> -> memref<4x2048xf32, #tpu.memory_space<vmem>>
    %dma_start3A_133 = arith.constant 12 : i32
    %dma_start3A_134 = tpu.memref_slice %arg2[%dma_start3A_133, %mul3A_90] : memref<16x3200000xf32, #tpu.memory_space<hbm>> -> memref<4x2048xf32, #tpu.memory_space<hbm>>
    tpu.enqueue_dma source(%dma_start3A_134 : memref<4x2048xf32, #tpu.memory_space<hbm>>) target(%dma_start3A_132 : memref<4x2048xf32, #tpu.memory_space<vmem>>) target_semaphore(%dma_start3A_128 : memref<!tpu.dma_semaphore, #tpu.memory_space<semaphore_mem>>)
    %add3A_135 = arith.constant 1 : i32
    %add3A_136 = arith.addi %select_n3A, %add3A_135 : i32
    %mul3A_137 = arith.constant 16 : i32
    %mul3A_138 = arith.muli %add3A_136, %mul3A_137 : i32
    %min3A_139 = arith.constant 24984 : i32
    %min3A_140 = arith.minsi %mul3A_138, %min3A_139 : i32
    %mul3A_141 = arith.constant 128 : i32
    %mul3A_142 = arith.muli %min3A_140, %mul3A_141 : i32
    %mul3A_143 = arith.constant 1 : i32
    %mul3A_144 = arith.constant 2048 : i32
    %mul3A_145 = arith.muli %mul3A_143, %mul3A_144 : i32
    %dma_start3A_146 = arith.constant 1 : i32
    %dma_start3A_147 = arith.constant 1 : i32
    %dma_start3A_148 = arith.constant 0 : i32
    %dma_start3A_149 = arith.constant 0 : i32
    %dma_start3A_150 = tpu.memref_slice %arg5[%dma_start3A_146, %dma_start3A_148, %dma_start3A_149] : memref<4x6x2048xf32, #tpu.memory_space<vmem>> -> memref<1x6x2048xf32, #tpu.memory_space<vmem>>
    %dma_start3A_151 = tpu.memref_squeeze %dma_start3A_150 : memref<1x6x2048xf32, #tpu.memory_space<vmem>> -> memref<6x2048xf32, #tpu.memory_space<vmem>>
    %dma_start3A_152 = arith.constant 0 : i32
    %dma_start3A_153 = tpu.memref_slice %arg2[%dma_start3A_152, %mul3A_142] : memref<16x3200000xf32, #tpu.memory_space<hbm>> -> memref<6x2048xf32, #tpu.memory_space<hbm>>
    %dma_start3A_154 = tpu.memref_slice %arg10[%dma_start3A_147] : memref<4x!tpu.dma_semaphore, #tpu.memory_space<semaphore_mem>> -> memref<1x!tpu.dma_semaphore, #tpu.memory_space<semaphore_mem>>
    %dma_start3A_155 = tpu.memref_squeeze %dma_start3A_154 : memref<1x!tpu.dma_semaphore, #tpu.memory_space<semaphore_mem>> -> memref<!tpu.dma_semaphore, #tpu.memory_space<semaphore_mem>>
    %dma_start3A_156 = arith.constant 0 : i32
    %dma_start3A_157 = arith.constant 0 : i32
    %dma_start3A_158 = tpu.memref_slice %arg5[%dma_start3A_146, %dma_start3A_156, %dma_start3A_157] : memref<4x6x2048xf32, #tpu.memory_space<vmem>> -> memref<1x6x2048xf32, #tpu.memory_space<vmem>>
    %dma_start3A_159 = tpu.memref_squeeze %dma_start3A_158 : memref<1x6x2048xf32, #tpu.memory_space<vmem>> -> memref<6x2048xf32, #tpu.memory_space<vmem>>
    %dma_start3A_160 = arith.constant 0 : i32
    %dma_start3A_161 = tpu.memref_slice %arg2[%dma_start3A_160, %mul3A_142] : memref<16x3200000xf32, #tpu.memory_space<hbm>> -> memref<6x2048xf32, #tpu.memory_space<hbm>>
    tpu.enqueue_dma source(%dma_start3A_161 : memref<6x2048xf32, #tpu.memory_space<hbm>>) target(%dma_start3A_159 : memref<6x2048xf32, #tpu.memory_space<vmem>>) target_semaphore(%dma_start3A_155 : memref<!tpu.dma_semaphore, #tpu.memory_space<semaphore_mem>>)
    %dma_start3A_162 = arith.constant 10 : i32
    %dma_start3A_163 = arith.constant 1 : i32
    %dma_start3A_164 = tpu.memref_slice %arg6[%mul3A_145] : memref<8192xf32, #tpu.memory_space<vmem>> -> memref<2048xf32, #tpu.memory_space<vmem>>
    %dma_start3A_165 = tpu.memref_slice %arg2[%dma_start3A_162, %mul3A_142] : memref<16x3200000xf32, #tpu.memory_space<hbm>> -> memref<1x2048xf32, #tpu.memory_space<hbm>>
    %dma_start3A_166 = tpu.memref_squeeze %dma_start3A_165 : memref<1x2048xf32, #tpu.memory_space<hbm>> -> memref<2048xf32, #tpu.memory_space<hbm>>
    %dma_start3A_167 = tpu.memref_slice %arg11[%dma_start3A_163] : memref<4x!tpu.dma_semaphore, #tpu.memory_space<semaphore_mem>> -> memref<1x!tpu.dma_semaphore, #tpu.memory_space<semaphore_mem>>
    %dma_start3A_168 = tpu.memref_squeeze %dma_start3A_167 : memref<1x!tpu.dma_semaphore, #tpu.memory_space<semaphore_mem>> -> memref<!tpu.dma_semaphore, #tpu.memory_space<semaphore_mem>>
    %dma_start3A_169 = tpu.memref_slice %arg6[%mul3A_145] : memref<8192xf32, #tpu.memory_space<vmem>> -> memref<2048xf32, #tpu.memory_space<vmem>>
    %dma_start3A_170 = tpu.memref_slice %arg2[%dma_start3A_162, %mul3A_142] : memref<16x3200000xf32, #tpu.memory_space<hbm>> -> memref<1x2048xf32, #tpu.memory_space<hbm>>
    %dma_start3A_171 = tpu.memref_squeeze %dma_start3A_170 : memref<1x2048xf32, #tpu.memory_space<hbm>> -> memref<2048xf32, #tpu.memory_space<hbm>>
    tpu.enqueue_dma source(%dma_start3A_171 : memref<2048xf32, #tpu.memory_space<hbm>>) target(%dma_start3A_169 : memref<2048xf32, #tpu.memory_space<vmem>>) target_semaphore(%dma_start3A_168 : memref<!tpu.dma_semaphore, #tpu.memory_space<semaphore_mem>>)
    %dma_start3A_172 = arith.constant 1 : i32
    %dma_start3A_173 = arith.constant 1 : i32
    %dma_start3A_174 = arith.constant 0 : i32
    %dma_start3A_175 = arith.constant 0 : i32
    %dma_start3A_176 = tpu.memref_slice %arg7[%dma_start3A_172, %dma_start3A_174, %dma_start3A_175] : memref<4x4x2048xf32, #tpu.memory_space<vmem>> -> memref<1x4x2048xf32, #tpu.memory_space<vmem>>
    %dma_start3A_177 = tpu.memref_squeeze %dma_start3A_176 : memref<1x4x2048xf32, #tpu.memory_space<vmem>> -> memref<4x2048xf32, #tpu.memory_space<vmem>>
    %dma_start3A_178 = arith.constant 12 : i32
    %dma_start3A_179 = tpu.memref_slice %arg2[%dma_start3A_178, %mul3A_142] : memref<16x3200000xf32, #tpu.memory_space<hbm>> -> memref<4x2048xf32, #tpu.memory_space<hbm>>
    %dma_start3A_180 = tpu.memref_slice %arg12[%dma_start3A_173] : memref<4x!tpu.dma_semaphore, #tpu.memory_space<semaphore_mem>> -> memref<1x!tpu.dma_semaphore, #tpu.memory_space<semaphore_mem>>
    %dma_start3A_181 = tpu.memref_squeeze %dma_start3A_180 : memref<1x!tpu.dma_semaphore, #tpu.memory_space<semaphore_mem>> -> memref<!tpu.dma_semaphore, #tpu.memory_space<semaphore_mem>>
    %dma_start3A_182 = arith.constant 0 : i32
    %dma_start3A_183 = arith.constant 0 : i32
    %dma_start3A_184 = tpu.memref_slice %arg7[%dma_start3A_172, %dma_start3A_182, %dma_start3A_183] : memref<4x4x2048xf32, #tpu.memory_space<vmem>> -> memref<1x4x2048xf32, #tpu.memory_space<vmem>>
    %dma_start3A_185 = tpu.memref_squeeze %dma_start3A_184 : memref<1x4x2048xf32, #tpu.memory_space<vmem>> -> memref<4x2048xf32, #tpu.memory_space<vmem>>
    %dma_start3A_186 = arith.constant 12 : i32
    %dma_start3A_187 = tpu.memref_slice %arg2[%dma_start3A_186, %mul3A_142] : memref<16x3200000xf32, #tpu.memory_space<hbm>> -> memref<4x2048xf32, #tpu.memory_space<hbm>>
    tpu.enqueue_dma source(%dma_start3A_187 : memref<4x2048xf32, #tpu.memory_space<hbm>>) target(%dma_start3A_185 : memref<4x2048xf32, #tpu.memory_space<vmem>>) target_semaphore(%dma_start3A_181 : memref<!tpu.dma_semaphore, #tpu.memory_space<semaphore_mem>>)
    %add3A_188 = arith.constant 2 : i32
    %add3A_189 = arith.addi %select_n3A, %add3A_188 : i32
    %mul3A_190 = arith.constant 16 : i32
    %mul3A_191 = arith.muli %add3A_189, %mul3A_190 : i32
    %min3A_192 = arith.constant 24984 : i32
    %min3A_193 = arith.minsi %mul3A_191, %min3A_192 : i32
    %mul3A_194 = arith.constant 128 : i32
    %mul3A_195 = arith.muli %min3A_193, %mul3A_194 : i32
    %mul3A_196 = arith.constant 2 : i32
    %mul3A_197 = arith.constant 2048 : i32
    %mul3A_198 = arith.muli %mul3A_196, %mul3A_197 : i32
    %dma_start3A_199 = arith.constant 2 : i32
    %dma_start3A_200 = arith.constant 2 : i32
    %dma_start3A_201 = arith.constant 0 : i32
    %dma_start3A_202 = arith.constant 0 : i32
    %dma_start3A_203 = tpu.memref_slice %arg5[%dma_start3A_199, %dma_start3A_201, %dma_start3A_202] : memref<4x6x2048xf32, #tpu.memory_space<vmem>> -> memref<1x6x2048xf32, #tpu.memory_space<vmem>>
    %dma_start3A_204 = tpu.memref_squeeze %dma_start3A_203 : memref<1x6x2048xf32, #tpu.memory_space<vmem>> -> memref<6x2048xf32, #tpu.memory_space<vmem>>
    %dma_start3A_205 = arith.constant 0 : i32
    %dma_start3A_206 = tpu.memref_slice %arg2[%dma_start3A_205, %mul3A_195] : memref<16x3200000xf32, #tpu.memory_space<hbm>> -> memref<6x2048xf32, #tpu.memory_space<hbm>>
    %dma_start3A_207 = tpu.memref_slice %arg10[%dma_start3A_200] : memref<4x!tpu.dma_semaphore, #tpu.memory_space<semaphore_mem>> -> memref<1x!tpu.dma_semaphore, #tpu.memory_space<semaphore_mem>>
    %dma_start3A_208 = tpu.memref_squeeze %dma_start3A_207 : memref<1x!tpu.dma_semaphore, #tpu.memory_space<semaphore_mem>> -> memref<!tpu.dma_semaphore, #tpu.memory_space<semaphore_mem>>
    %dma_start3A_209 = arith.constant 0 : i32
    %dma_start3A_210 = arith.constant 0 : i32
    %dma_start3A_211 = tpu.memref_slice %arg5[%dma_start3A_199, %dma_start3A_209, %dma_start3A_210] : memref<4x6x2048xf32, #tpu.memory_space<vmem>> -> memref<1x6x2048xf32, #tpu.memory_space<vmem>>
    %dma_start3A_212 = tpu.memref_squeeze %dma_start3A_211 : memref<1x6x2048xf32, #tpu.memory_space<vmem>> -> memref<6x2048xf32, #tpu.memory_space<vmem>>
    %dma_start3A_213 = arith.constant 0 : i32
    %dma_start3A_214 = tpu.memref_slice %arg2[%dma_start3A_213, %mul3A_195] : memref<16x3200000xf32, #tpu.memory_space<hbm>> -> memref<6x2048xf32, #tpu.memory_space<hbm>>
    tpu.enqueue_dma source(%dma_start3A_214 : memref<6x2048xf32, #tpu.memory_space<hbm>>) target(%dma_start3A_212 : memref<6x2048xf32, #tpu.memory_space<vmem>>) target_semaphore(%dma_start3A_208 : memref<!tpu.dma_semaphore, #tpu.memory_space<semaphore_mem>>)
    %dma_start3A_215 = arith.constant 10 : i32
    %dma_start3A_216 = arith.constant 2 : i32
    %dma_start3A_217 = tpu.memref_slice %arg6[%mul3A_198] : memref<8192xf32, #tpu.memory_space<vmem>> -> memref<2048xf32, #tpu.memory_space<vmem>>
    %dma_start3A_218 = tpu.memref_slice %arg2[%dma_start3A_215, %mul3A_195] : memref<16x3200000xf32, #tpu.memory_space<hbm>> -> memref<1x2048xf32, #tpu.memory_space<hbm>>
    %dma_start3A_219 = tpu.memref_squeeze %dma_start3A_218 : memref<1x2048xf32, #tpu.memory_space<hbm>> -> memref<2048xf32, #tpu.memory_space<hbm>>
    %dma_start3A_220 = tpu.memref_slice %arg11[%dma_start3A_216] : memref<4x!tpu.dma_semaphore, #tpu.memory_space<semaphore_mem>> -> memref<1x!tpu.dma_semaphore, #tpu.memory_space<semaphore_mem>>
    %dma_start3A_221 = tpu.memref_squeeze %dma_start3A_220 : memref<1x!tpu.dma_semaphore, #tpu.memory_space<semaphore_mem>> -> memref<!tpu.dma_semaphore, #tpu.memory_space<semaphore_mem>>
    %dma_start3A_222 = tpu.memref_slice %arg6[%mul3A_198] : memref<8192xf32, #tpu.memory_space<vmem>> -> memref<2048xf32, #tpu.memory_space<vmem>>
    %dma_start3A_223 = tpu.memref_slice %arg2[%dma_start3A_215, %mul3A_195] : memref<16x3200000xf32, #tpu.memory_space<hbm>> -> memref<1x2048xf32, #tpu.memory_space<hbm>>
    %dma_start3A_224 = tpu.memref_squeeze %dma_start3A_223 : memref<1x2048xf32, #tpu.memory_space<hbm>> -> memref<2048xf32, #tpu.memory_space<hbm>>
    tpu.enqueue_dma source(%dma_start3A_224 : memref<2048xf32, #tpu.memory_space<hbm>>) target(%dma_start3A_222 : memref<2048xf32, #tpu.memory_space<vmem>>) target_semaphore(%dma_start3A_221 : memref<!tpu.dma_semaphore, #tpu.memory_space<semaphore_mem>>)
    %dma_start3A_225 = arith.constant 2 : i32
    %dma_start3A_226 = arith.constant 2 : i32
    %dma_start3A_227 = arith.constant 0 : i32
    %dma_start3A_228 = arith.constant 0 : i32
    %dma_start3A_229 = tpu.memref_slice %arg7[%dma_start3A_225, %dma_start3A_227, %dma_start3A_228] : memref<4x4x2048xf32, #tpu.memory_space<vmem>> -> memref<1x4x2048xf32, #tpu.memory_space<vmem>>
    %dma_start3A_230 = tpu.memref_squeeze %dma_start3A_229 : memref<1x4x2048xf32, #tpu.memory_space<vmem>> -> memref<4x2048xf32, #tpu.memory_space<vmem>>
    %dma_start3A_231 = arith.constant 12 : i32
    %dma_start3A_232 = tpu.memref_slice %arg2[%dma_start3A_231, %mul3A_195] : memref<16x3200000xf32, #tpu.memory_space<hbm>> -> memref<4x2048xf32, #tpu.memory_space<hbm>>
    %dma_start3A_233 = tpu.memref_slice %arg12[%dma_start3A_226] : memref<4x!tpu.dma_semaphore, #tpu.memory_space<semaphore_mem>> -> memref<1x!tpu.dma_semaphore, #tpu.memory_space<semaphore_mem>>
    %dma_start3A_234 = tpu.memref_squeeze %dma_start3A_233 : memref<1x!tpu.dma_semaphore, #tpu.memory_space<semaphore_mem>> -> memref<!tpu.dma_semaphore, #tpu.memory_space<semaphore_mem>>
    %dma_start3A_235 = arith.constant 0 : i32
    %dma_start3A_236 = arith.constant 0 : i32
    %dma_start3A_237 = tpu.memref_slice %arg7[%dma_start3A_225, %dma_start3A_235, %dma_start3A_236] : memref<4x4x2048xf32, #tpu.memory_space<vmem>> -> memref<1x4x2048xf32, #tpu.memory_space<vmem>>
    %dma_start3A_238 = tpu.memref_squeeze %dma_start3A_237 : memref<1x4x2048xf32, #tpu.memory_space<vmem>> -> memref<4x2048xf32, #tpu.memory_space<vmem>>
    %dma_start3A_239 = arith.constant 12 : i32
    %dma_start3A_240 = tpu.memref_slice %arg2[%dma_start3A_239, %mul3A_195] : memref<16x3200000xf32, #tpu.memory_space<hbm>> -> memref<4x2048xf32, #tpu.memory_space<hbm>>
    tpu.enqueue_dma source(%dma_start3A_240 : memref<4x2048xf32, #tpu.memory_space<hbm>>) target(%dma_start3A_238 : memref<4x2048xf32, #tpu.memory_space<vmem>>) target_semaphore(%dma_start3A_234 : memref<!tpu.dma_semaphore, #tpu.memory_space<semaphore_mem>>)
    %while3A = arith.constant 0 : i32
    %while3A_241 = arith.constant 0 : i32
    %while3A_242 = arith.subi %sub3A_47, %while3A_241 : i32
    %while3A_243 = arith.addi %while3A_241, %while3A_242 : i32
    %while3A_244 = arith.constant 1 : i32
    %while3A_245 = arith.divsi %while3A_242, %while3A_244 : i32
    %while3A_246 = arith.muli %while3A_245, %while3A_244 : i32
    %while3A_247 = arith.addi %while3A_241, %while3A_246 : i32
    %while3A_248 = arith.constant 1 : i32
    scf.for %while3A_388 = %while3A_241 to %while3A_247 step %while3A_248  : i32 {
      %jit3A_389 = arith.constant 4 : i32
      %eq3A_390 = arith.constant 0 : i32
      %eq3A_391 = arith.cmpi eq, %jit3A_389, %eq3A_390 : i32
      %jit3A_392 = arith.constant 1 : i32
      %select_n3A_393 = arith.select %eq3A_391, %jit3A_392, %jit3A_389 : i32
      %rem3A_394 = arith.remsi %while3A_388, %select_n3A_393 : i32
      %ne3A_395 = arith.constant 0 : i32
      %ne3A_396 = arith.cmpi ne, %rem3A_394, %ne3A_395 : i32
      %lt3A_397 = arith.constant 0 : i32
      %lt3A_398 = arith.cmpi slt, %rem3A_394, %lt3A_397 : i32
      %lt3A_399 = arith.constant 0 : i32
      %lt3A_400 = arith.cmpi slt, %select_n3A_393, %lt3A_399 : i32
      %ne3A_401 = arith.xori %lt3A_398, %lt3A_400 : i1
      %and3A_402 = arith.andi %ne3A_401, %ne3A_396 : i1
      %add3A_403 = arith.addi %rem3A_394, %select_n3A_393 : i32
      %select_n3A_404 = arith.select %and3A_402, %add3A_403, %rem3A_394 : i32
      %add3A_405 = arith.constant 3 : i32
      %add3A_406 = arith.addi %while3A_388, %add3A_405 : i32
      %lt3A_407 = arith.cmpi slt, %add3A_406, %sub3A_47 : i32
      %convert_element_type3A = arith.extui %lt3A_407 : i1 to i32
      %cond3A = arith.constant 0 : i32
      %cond3A_408 = arith.cmpi ne, %convert_element_type3A, %cond3A : i32
      scf.if %cond3A_408 {
        %add3A_476 = arith.constant 3 : i32
        %add3A_477 = arith.addi %while3A_388, %add3A_476 : i32
        %add3A_478 = arith.constant 3 : i32
        %add3A_479 = arith.addi %while3A_388, %add3A_478 : i32
        %jit3A_480 = arith.constant 4 : i32
        %eq3A_481 = arith.constant 0 : i32
        %eq3A_482 = arith.cmpi eq, %jit3A_480, %eq3A_481 : i32
        %jit3A_483 = arith.constant 1 : i32
        %select_n3A_484 = arith.select %eq3A_482, %jit3A_483, %jit3A_480 : i32
        %rem3A_485 = arith.remsi %add3A_479, %select_n3A_484 : i32
        %ne3A_486 = arith.constant 0 : i32
        %ne3A_487 = arith.cmpi ne, %rem3A_485, %ne3A_486 : i32
        %lt3A_488 = arith.constant 0 : i32
        %lt3A_489 = arith.cmpi slt, %rem3A_485, %lt3A_488 : i32
        %lt3A_490 = arith.constant 0 : i32
        %lt3A_491 = arith.cmpi slt, %select_n3A_484, %lt3A_490 : i32
        %ne3A_492 = arith.xori %lt3A_489, %lt3A_491 : i1
        %and3A_493 = arith.andi %ne3A_492, %ne3A_487 : i1
        %add3A_494 = arith.addi %rem3A_485, %select_n3A_484 : i32
        %select_n3A_495 = arith.select %and3A_493, %add3A_494, %rem3A_485 : i32
        %add3A_496 = arith.addi %select_n3A, %add3A_477 : i32
        %mul3A_497 = arith.constant 16 : i32
        %mul3A_498 = arith.muli %add3A_496, %mul3A_497 : i32
        %min3A_499 = arith.constant 24984 : i32
        %min3A_500 = arith.minsi %mul3A_498, %min3A_499 : i32
        %mul3A_501 = arith.constant 128 : i32
        %mul3A_502 = arith.muli %min3A_500, %mul3A_501 : i32
        %mul3A_503 = arith.constant 2048 : i32
        %mul3A_504 = arith.muli %select_n3A_495, %mul3A_503 : i32
        %dma_start3A_505 = arith.constant 0 : i32
        %dma_start3A_506 = arith.constant 0 : i32
        %dma_start3A_507 = tpu.memref_slice %arg5[%select_n3A_495, %dma_start3A_505, %dma_start3A_506] : memref<4x6x2048xf32, #tpu.memory_space<vmem>> -> memref<1x6x2048xf32, #tpu.memory_space<vmem>>
        %dma_start3A_508 = tpu.memref_squeeze %dma_start3A_507 : memref<1x6x2048xf32, #tpu.memory_space<vmem>> -> memref<6x2048xf32, #tpu.memory_space<vmem>>
        %dma_start3A_509 = arith.constant 0 : i32
        %dma_start3A_510 = tpu.memref_slice %arg2[%dma_start3A_509, %mul3A_502] : memref<16x3200000xf32, #tpu.memory_space<hbm>> -> memref<6x2048xf32, #tpu.memory_space<hbm>>
        %dma_start3A_511 = tpu.memref_slice %arg10[%select_n3A_495] : memref<4x!tpu.dma_semaphore, #tpu.memory_space<semaphore_mem>> -> memref<1x!tpu.dma_semaphore, #tpu.memory_space<semaphore_mem>>
        %dma_start3A_512 = tpu.memref_squeeze %dma_start3A_511 : memref<1x!tpu.dma_semaphore, #tpu.memory_space<semaphore_mem>> -> memref<!tpu.dma_semaphore, #tpu.memory_space<semaphore_mem>>
        %dma_start3A_513 = arith.constant 0 : i32
        %dma_start3A_514 = arith.constant 0 : i32
        %dma_start3A_515 = tpu.memref_slice %arg5[%select_n3A_495, %dma_start3A_513, %dma_start3A_514] : memref<4x6x2048xf32, #tpu.memory_space<vmem>> -> memref<1x6x2048xf32, #tpu.memory_space<vmem>>
        %dma_start3A_516 = tpu.memref_squeeze %dma_start3A_515 : memref<1x6x2048xf32, #tpu.memory_space<vmem>> -> memref<6x2048xf32, #tpu.memory_space<vmem>>
        %dma_start3A_517 = arith.constant 0 : i32
        %dma_start3A_518 = tpu.memref_slice %arg2[%dma_start3A_517, %mul3A_502] : memref<16x3200000xf32, #tpu.memory_space<hbm>> -> memref<6x2048xf32, #tpu.memory_space<hbm>>
        tpu.enqueue_dma source(%dma_start3A_518 : memref<6x2048xf32, #tpu.memory_space<hbm>>) target(%dma_start3A_516 : memref<6x2048xf32, #tpu.memory_space<vmem>>) target_semaphore(%dma_start3A_512 : memref<!tpu.dma_semaphore, #tpu.memory_space<semaphore_mem>>)
        %dma_start3A_519 = arith.constant 10 : i32
        %dma_start3A_520 = tpu.memref_slice %arg6[%mul3A_504] : memref<8192xf32, #tpu.memory_space<vmem>> -> memref<2048xf32, #tpu.memory_space<vmem>>
        %dma_start3A_521 = tpu.memref_slice %arg2[%dma_start3A_519, %mul3A_502] : memref<16x3200000xf32, #tpu.memory_space<hbm>> -> memref<1x2048xf32, #tpu.memory_space<hbm>>
        %dma_start3A_522 = tpu.memref_squeeze %dma_start3A_521 : memref<1x2048xf32, #tpu.memory_space<hbm>> -> memref<2048xf32, #tpu.memory_space<hbm>>
        %dma_start3A_523 = tpu.memref_slice %arg11[%select_n3A_495] : memref<4x!tpu.dma_semaphore, #tpu.memory_space<semaphore_mem>> -> memref<1x!tpu.dma_semaphore, #tpu.memory_space<semaphore_mem>>
        %dma_start3A_524 = tpu.memref_squeeze %dma_start3A_523 : memref<1x!tpu.dma_semaphore, #tpu.memory_space<semaphore_mem>> -> memref<!tpu.dma_semaphore, #tpu.memory_space<semaphore_mem>>
        %dma_start3A_525 = tpu.memref_slice %arg6[%mul3A_504] : memref<8192xf32, #tpu.memory_space<vmem>> -> memref<2048xf32, #tpu.memory_space<vmem>>
        %dma_start3A_526 = tpu.memref_slice %arg2[%dma_start3A_519, %mul3A_502] : memref<16x3200000xf32, #tpu.memory_space<hbm>> -> memref<1x2048xf32, #tpu.memory_space<hbm>>
        %dma_start3A_527 = tpu.memref_squeeze %dma_start3A_526 : memref<1x2048xf32, #tpu.memory_space<hbm>> -> memref<2048xf32, #tpu.memory_space<hbm>>
        tpu.enqueue_dma source(%dma_start3A_527 : memref<2048xf32, #tpu.memory_space<hbm>>) target(%dma_start3A_525 : memref<2048xf32, #tpu.memory_space<vmem>>) target_semaphore(%dma_start3A_524 : memref<!tpu.dma_semaphore, #tpu.memory_space<semaphore_mem>>)
        %dma_start3A_528 = arith.constant 0 : i32
        %dma_start3A_529 = arith.constant 0 : i32
        %dma_start3A_530 = tpu.memref_slice %arg7[%select_n3A_495, %dma_start3A_528, %dma_start3A_529] : memref<4x4x2048xf32, #tpu.memory_space<vmem>> -> memref<1x4x2048xf32, #tpu.memory_space<vmem>>
        %dma_start3A_531 = tpu.memref_squeeze %dma_start3A_530 : memref<1x4x2048xf32, #tpu.memory_space<vmem>> -> memref<4x2048xf32, #tpu.memory_space<vmem>>
        %dma_start3A_532 = arith.constant 12 : i32
        %dma_start3A_533 = tpu.memref_slice %arg2[%dma_start3A_532, %mul3A_502] : memref<16x3200000xf32, #tpu.memory_space<hbm>> -> memref<4x2048xf32, #tpu.memory_space<hbm>>
        %dma_start3A_534 = tpu.memref_slice %arg12[%select_n3A_495] : memref<4x!tpu.dma_semaphore, #tpu.memory_space<semaphore_mem>> -> memref<1x!tpu.dma_semaphore, #tpu.memory_space<semaphore_mem>>
        %dma_start3A_535 = tpu.memref_squeeze %dma_start3A_534 : memref<1x!tpu.dma_semaphore, #tpu.memory_space<semaphore_mem>> -> memref<!tpu.dma_semaphore, #tpu.memory_space<semaphore_mem>>
        %dma_start3A_536 = arith.constant 0 : i32
        %dma_start3A_537 = arith.constant 0 : i32
        %dma_start3A_538 = tpu.memref_slice %arg7[%select_n3A_495, %dma_start3A_536, %dma_start3A_537] : memref<4x4x2048xf32, #tpu.memory_space<vmem>> -> memref<1x4x2048xf32, #tpu.memory_space<vmem>>
        %dma_start3A_539 = tpu.memref_squeeze %dma_start3A_538 : memref<1x4x2048xf32, #tpu.memory_space<vmem>> -> memref<4x2048xf32, #tpu.memory_space<vmem>>
        %dma_start3A_540 = arith.constant 12 : i32
        %dma_start3A_541 = tpu.memref_slice %arg2[%dma_start3A_540, %mul3A_502] : memref<16x3200000xf32, #tpu.memory_space<hbm>> -> memref<4x2048xf32, #tpu.memory_space<hbm>>
        tpu.enqueue_dma source(%dma_start3A_541 : memref<4x2048xf32, #tpu.memory_space<hbm>>) target(%dma_start3A_539 : memref<4x2048xf32, #tpu.memory_space<vmem>>) target_semaphore(%dma_start3A_535 : memref<!tpu.dma_semaphore, #tpu.memory_space<semaphore_mem>>)
      } else {
      }
      %add3A_409 = arith.addi %select_n3A, %while3A_388 : i32
      %mul3A_410 = arith.constant 16 : i32
      %mul3A_411 = arith.muli %add3A_409, %mul3A_410 : i32
      %min3A_412 = arith.constant 24984 : i32
      %min3A_413 = arith.minsi %mul3A_411, %min3A_412 : i32
      %mul3A_414 = arith.constant 128 : i32
      %mul3A_415 = arith.muli %min3A_413, %mul3A_414 : i32
      %mul3A_416 = arith.constant 2048 : i32
      %mul3A_417 = arith.muli %select_n3A_404, %mul3A_416 : i32
      %dma_wait3A_418 = arith.constant 0 : i32
      %dma_wait3A_419 = arith.constant 0 : i32
      %dma_wait3A_420 = tpu.memref_slice %arg5[%select_n3A_404, %dma_wait3A_418, %dma_wait3A_419] : memref<4x6x2048xf32, #tpu.memory_space<vmem>> -> memref<1x6x2048xf32, #tpu.memory_space<vmem>>
      %dma_wait3A_421 = tpu.memref_squeeze %dma_wait3A_420 : memref<1x6x2048xf32, #tpu.memory_space<vmem>> -> memref<6x2048xf32, #tpu.memory_space<vmem>>
      %dma_wait3A_422 = arith.constant 0 : i32
      %dma_wait3A_423 = tpu.memref_slice %arg2[%dma_wait3A_422, %mul3A_415] : memref<16x3200000xf32, #tpu.memory_space<hbm>> -> memref<6x2048xf32, #tpu.memory_space<hbm>>
      %dma_wait3A_424 = tpu.memref_slice %arg10[%select_n3A_404] : memref<4x!tpu.dma_semaphore, #tpu.memory_space<semaphore_mem>> -> memref<1x!tpu.dma_semaphore, #tpu.memory_space<semaphore_mem>>
      %dma_wait3A_425 = tpu.memref_squeeze %dma_wait3A_424 : memref<1x!tpu.dma_semaphore, #tpu.memory_space<semaphore_mem>> -> memref<!tpu.dma_semaphore, #tpu.memory_space<semaphore_mem>>
      %dma_wait3A_426 = arith.constant 0 : i32
      %dma_wait3A_427 = arith.constant 0 : i32
      %dma_wait3A_428 = tpu.memref_slice %arg5[%select_n3A_404, %dma_wait3A_426, %dma_wait3A_427] : memref<4x6x2048xf32, #tpu.memory_space<vmem>> -> memref<1x6x2048xf32, #tpu.memory_space<vmem>>
      %dma_wait3A_429 = tpu.memref_squeeze %dma_wait3A_428 : memref<1x6x2048xf32, #tpu.memory_space<vmem>> -> memref<6x2048xf32, #tpu.memory_space<vmem>>
      %dma_wait3A_430 = arith.constant 0 : i32
      %dma_wait3A_431 = tpu.memref_slice %arg2[%dma_wait3A_430, %mul3A_415] : memref<16x3200000xf32, #tpu.memory_space<hbm>> -> memref<6x2048xf32, #tpu.memory_space<hbm>>
      tpu.wait_dma2 semaphore(%dma_wait3A_425 : memref<!tpu.dma_semaphore, #tpu.memory_space<semaphore_mem>>) src(%dma_wait3A_431 : memref<6x2048xf32, #tpu.memory_space<hbm>>) dst(%dma_wait3A_429 : memref<6x2048xf32, #tpu.memory_space<vmem>>)
      %dma_wait3A_432 = arith.constant 10 : i32
      %dma_wait3A_433 = tpu.memref_slice %arg6[%mul3A_417] : memref<8192xf32, #tpu.memory_space<vmem>> -> memref<2048xf32, #tpu.memory_space<vmem>>
      %dma_wait3A_434 = tpu.memref_slice %arg2[%dma_wait3A_432, %mul3A_415] : memref<16x3200000xf32, #tpu.memory_space<hbm>> -> memref<1x2048xf32, #tpu.memory_space<hbm>>
      %dma_wait3A_435 = tpu.memref_squeeze %dma_wait3A_434 : memref<1x2048xf32, #tpu.memory_space<hbm>> -> memref<2048xf32, #tpu.memory_space<hbm>>
      %dma_wait3A_436 = tpu.memref_slice %arg11[%select_n3A_404] : memref<4x!tpu.dma_semaphore, #tpu.memory_space<semaphore_mem>> -> memref<1x!tpu.dma_semaphore, #tpu.memory_space<semaphore_mem>>
      %dma_wait3A_437 = tpu.memref_squeeze %dma_wait3A_436 : memref<1x!tpu.dma_semaphore, #tpu.memory_space<semaphore_mem>> -> memref<!tpu.dma_semaphore, #tpu.memory_space<semaphore_mem>>
      %dma_wait3A_438 = tpu.memref_slice %arg6[%mul3A_417] : memref<8192xf32, #tpu.memory_space<vmem>> -> memref<2048xf32, #tpu.memory_space<vmem>>
      %dma_wait3A_439 = tpu.memref_slice %arg2[%dma_wait3A_432, %mul3A_415] : memref<16x3200000xf32, #tpu.memory_space<hbm>> -> memref<1x2048xf32, #tpu.memory_space<hbm>>
      %dma_wait3A_440 = tpu.memref_squeeze %dma_wait3A_439 : memref<1x2048xf32, #tpu.memory_space<hbm>> -> memref<2048xf32, #tpu.memory_space<hbm>>
      tpu.wait_dma2 semaphore(%dma_wait3A_437 : memref<!tpu.dma_semaphore, #tpu.memory_space<semaphore_mem>>) src(%dma_wait3A_440 : memref<2048xf32, #tpu.memory_space<hbm>>) dst(%dma_wait3A_438 : memref<2048xf32, #tpu.memory_space<vmem>>)
      %dma_wait3A_441 = arith.constant 0 : i32
      %dma_wait3A_442 = arith.constant 0 : i32
      %dma_wait3A_443 = tpu.memref_slice %arg7[%select_n3A_404, %dma_wait3A_441, %dma_wait3A_442] : memref<4x4x2048xf32, #tpu.memory_space<vmem>> -> memref<1x4x2048xf32, #tpu.memory_space<vmem>>
      %dma_wait3A_444 = tpu.memref_squeeze %dma_wait3A_443 : memref<1x4x2048xf32, #tpu.memory_space<vmem>> -> memref<4x2048xf32, #tpu.memory_space<vmem>>
      %dma_wait3A_445 = arith.constant 12 : i32
      %dma_wait3A_446 = tpu.memref_slice %arg2[%dma_wait3A_445, %mul3A_415] : memref<16x3200000xf32, #tpu.memory_space<hbm>> -> memref<4x2048xf32, #tpu.memory_space<hbm>>
      %dma_wait3A_447 = tpu.memref_slice %arg12[%select_n3A_404] : memref<4x!tpu.dma_semaphore, #tpu.memory_space<semaphore_mem>> -> memref<1x!tpu.dma_semaphore, #tpu.memory_space<semaphore_mem>>
      %dma_wait3A_448 = tpu.memref_squeeze %dma_wait3A_447 : memref<1x!tpu.dma_semaphore, #tpu.memory_space<semaphore_mem>> -> memref<!tpu.dma_semaphore, #tpu.memory_space<semaphore_mem>>
      %dma_wait3A_449 = arith.constant 0 : i32
      %dma_wait3A_450 = arith.constant 0 : i32
      %dma_wait3A_451 = tpu.memref_slice %arg7[%select_n3A_404, %dma_wait3A_449, %dma_wait3A_450] : memref<4x4x2048xf32, #tpu.memory_space<vmem>> -> memref<1x4x2048xf32, #tpu.memory_space<vmem>>
      %dma_wait3A_452 = tpu.memref_squeeze %dma_wait3A_451 : memref<1x4x2048xf32, #tpu.memory_space<vmem>> -> memref<4x2048xf32, #tpu.memory_space<vmem>>
      %dma_wait3A_453 = arith.constant 12 : i32
      %dma_wait3A_454 = tpu.memref_slice %arg2[%dma_wait3A_453, %mul3A_415] : memref<16x3200000xf32, #tpu.memory_space<hbm>> -> memref<4x2048xf32, #tpu.memory_space<hbm>>
      tpu.wait_dma2 semaphore(%dma_wait3A_448 : memref<!tpu.dma_semaphore, #tpu.memory_space<semaphore_mem>>) src(%dma_wait3A_454 : memref<4x2048xf32, #tpu.memory_space<hbm>>) dst(%dma_wait3A_452 : memref<4x2048xf32, #tpu.memory_space<vmem>>)
      %ge3A = arith.constant 4 : i32
      %ge3A_455 = arith.cmpi sge, %while3A_388, %ge3A : i32
      %convert_element_type3A_456 = arith.extui %ge3A_455 : i1 to i32
      %cond3A_457 = arith.constant 0 : i32
      %cond3A_458 = arith.cmpi ne, %convert_element_type3A_456, %cond3A_457 : i32
      scf.if %cond3A_458 {
        %sub3A_476 = arith.constant 4 : i32
        %sub3A_477 = arith.subi %while3A_388, %sub3A_476 : i32
        %mul3A_478 = arith.constant 2048 : i32
        %mul3A_479 = arith.muli %select_n3A_404, %mul3A_478 : i32
        %add3A_480 = arith.addi %select_n3A, %sub3A_477 : i32
        %mul3A_481 = arith.constant 16 : i32
        %mul3A_482 = arith.muli %add3A_480, %mul3A_481 : i32
        %min3A_483 = arith.constant 24984 : i32
        %min3A_484 = arith.minsi %mul3A_482, %min3A_483 : i32
        %mul3A_485 = arith.constant 128 : i32
        %mul3A_486 = arith.muli %min3A_484, %mul3A_485 : i32
        %dma_wait3A_487 = tpu.memref_slice %arg8[%mul3A_479] : memref<8192xf32, #tpu.memory_space<vmem>> -> memref<2048xf32, #tpu.memory_space<vmem>>
        %dma_wait3A_488 = tpu.memref_slice %arg4[%mul3A_486] : memref<3200000xf32, #tpu.memory_space<hbm>> -> memref<2048xf32, #tpu.memory_space<hbm>>
        %dma_wait3A_489 = tpu.memref_slice %arg13[%select_n3A_404] : memref<4x!tpu.dma_semaphore, #tpu.memory_space<semaphore_mem>> -> memref<1x!tpu.dma_semaphore, #tpu.memory_space<semaphore_mem>>
        %dma_wait3A_490 = tpu.memref_squeeze %dma_wait3A_489 : memref<1x!tpu.dma_semaphore, #tpu.memory_space<semaphore_mem>> -> memref<!tpu.dma_semaphore, #tpu.memory_space<semaphore_mem>>
        %dma_wait3A_491 = tpu.memref_slice %arg4[%mul3A_486] : memref<3200000xf32, #tpu.memory_space<hbm>> -> memref<2048xf32, #tpu.memory_space<hbm>>
        %dma_wait3A_492 = tpu.memref_slice %arg8[%mul3A_479] : memref<8192xf32, #tpu.memory_space<vmem>> -> memref<2048xf32, #tpu.memory_space<vmem>>
        tpu.wait_dma2 semaphore(%dma_wait3A_490 : memref<!tpu.dma_semaphore, #tpu.memory_space<semaphore_mem>>) src(%dma_wait3A_492 : memref<2048xf32, #tpu.memory_space<vmem>>) dst(%dma_wait3A_491 : memref<2048xf32, #tpu.memory_space<hbm>>)
      } else {
      }
      %parallel_loop3A = arith.constant 0 : i32
      %parallel_loop3A_459 = arith.constant 128 : i32
      %parallel_loop3A_460 = arith.constant 1 : i32
      scf.for %parallel_loop3A_476 = %parallel_loop3A to %parallel_loop3A_459 step %parallel_loop3A_460  : i32 {
        %parallel_loop3A_477 = arith.constant 16 : i32
        %parallel_loop3A_478 = arith.muli %parallel_loop3A_476, %parallel_loop3A_477 : i32
        %parallel_loop3A_479 = arith.constant 0 : i32
        %parallel_loop3A_480 = arith.constant 0 : i32
        %parallel_loop3A_481 = arith.constant 0 : i32
        %parallel_loop3A_482 = tpu.memref_slice %arg5[%select_n3A_404, %parallel_loop3A_480, %parallel_loop3A_481] : memref<4x6x2048xf32, #tpu.memory_space<vmem>> -> memref<1x6x2048xf32, #tpu.memory_space<vmem>>
        %parallel_loop3A_483 = tpu.memref_squeeze %parallel_loop3A_482 : memref<1x6x2048xf32, #tpu.memory_space<vmem>> -> memref<6x2048xf32, #tpu.memory_space<vmem>>
        %parallel_loop3A_484 = arith.index_cast %parallel_loop3A_479 : i32 to index
        %parallel_loop3A_485 = arith.index_cast %parallel_loop3A_478 : i32 to index
        %parallel_loop3A_486 = tpu.vector_load %parallel_loop3A_483[%parallel_loop3A_484, %parallel_loop3A_485] {strides = array<i32>} : memref<6x2048xf32, #tpu.memory_space<vmem>>, vector<16xf32>,
        %parallel_loop3A_487 = arith.constant 1 : i32
        %parallel_loop3A_488 = arith.constant 0 : i32
        %parallel_loop3A_489 = arith.constant 0 : i32
        %parallel_loop3A_490 = tpu.memref_slice %arg5[%select_n3A_404, %parallel_loop3A_488, %parallel_loop3A_489] : memref<4x6x2048xf32, #tpu.memory_space<vmem>> -> memref<1x6x2048xf32, #tpu.memory_space<vmem>>
        %parallel_loop3A_491 = tpu.memref_squeeze %parallel_loop3A_490 : memref<1x6x2048xf32, #tpu.memory_space<vmem>> -> memref<6x2048xf32, #tpu.memory_space<vmem>>
        %parallel_loop3A_492 = arith.index_cast %parallel_loop3A_487 : i32 to index
        %parallel_loop3A_493 = arith.index_cast %parallel_loop3A_478 : i32 to index
        %parallel_loop3A_494 = tpu.vector_load %parallel_loop3A_491[%parallel_loop3A_492, %parallel_loop3A_493] {strides = array<i32>} : memref<6x2048xf32, #tpu.memory_space<vmem>>, vector<16xf32>,
        %parallel_loop3A_495 = arith.constant 2 : i32
        %parallel_loop3A_496 = arith.constant 0 : i32
        %parallel_loop3A_497 = arith.constant 0 : i32
        %parallel_loop3A_498 = tpu.memref_slice %arg5[%select_n3A_404, %parallel_loop3A_496, %parallel_loop3A_497] : memref<4x6x2048xf32, #tpu.memory_space<vmem>> -> memref<1x6x2048xf32, #tpu.memory_space<vmem>>
        %parallel_loop3A_499 = tpu.memref_squeeze %parallel_loop3A_498 : memref<1x6x2048xf32, #tpu.memory_space<vmem>> -> memref<6x2048xf32, #tpu.memory_space<vmem>>
        %parallel_loop3A_500 = arith.index_cast %parallel_loop3A_495 : i32 to index
        %parallel_loop3A_501 = arith.index_cast %parallel_loop3A_478 : i32 to index
        %parallel_loop3A_502 = tpu.vector_load %parallel_loop3A_499[%parallel_loop3A_500, %parallel_loop3A_501] {strides = array<i32>} : memref<6x2048xf32, #tpu.memory_space<vmem>>, vector<16xf32>,
        %parallel_loop3A_503 = arith.constant 3 : i32
        %parallel_loop3A_504 = arith.constant 0 : i32
        %parallel_loop3A_505 = arith.constant 0 : i32
        %parallel_loop3A_506 = tpu.memref_slice %arg5[%select_n3A_404, %parallel_loop3A_504, %parallel_loop3A_505] : memref<4x6x2048xf32, #tpu.memory_space<vmem>> -> memref<1x6x2048xf32, #tpu.memory_space<vmem>>
        %parallel_loop3A_507 = tpu.memref_squeeze %parallel_loop3A_506 : memref<1x6x2048xf32, #tpu.memory_space<vmem>> -> memref<6x2048xf32, #tpu.memory_space<vmem>>
        %parallel_loop3A_508 = arith.index_cast %parallel_loop3A_503 : i32 to index
        %parallel_loop3A_509 = arith.index_cast %parallel_loop3A_478 : i32 to index
        %parallel_loop3A_510 = tpu.vector_load %parallel_loop3A_507[%parallel_loop3A_508, %parallel_loop3A_509] {strides = array<i32>} : memref<6x2048xf32, #tpu.memory_space<vmem>>, vector<16xf32>,
        %parallel_loop3A_511 = arith.constant 4 : i32
        %parallel_loop3A_512 = arith.constant 0 : i32
        %parallel_loop3A_513 = arith.constant 0 : i32
        %parallel_loop3A_514 = tpu.memref_slice %arg5[%select_n3A_404, %parallel_loop3A_512, %parallel_loop3A_513] : memref<4x6x2048xf32, #tpu.memory_space<vmem>> -> memref<1x6x2048xf32, #tpu.memory_space<vmem>>
        %parallel_loop3A_515 = tpu.memref_squeeze %parallel_loop3A_514 : memref<1x6x2048xf32, #tpu.memory_space<vmem>> -> memref<6x2048xf32, #tpu.memory_space<vmem>>
        %parallel_loop3A_516 = arith.index_cast %parallel_loop3A_511 : i32 to index
        %parallel_loop3A_517 = arith.index_cast %parallel_loop3A_478 : i32 to index
        %parallel_loop3A_518 = tpu.vector_load %parallel_loop3A_515[%parallel_loop3A_516, %parallel_loop3A_517] {strides = array<i32>} : memref<6x2048xf32, #tpu.memory_space<vmem>>, vector<16xf32>,
        %parallel_loop3A_519 = arith.constant 5 : i32
        %parallel_loop3A_520 = arith.constant 0 : i32
        %parallel_loop3A_521 = arith.constant 0 : i32
        %parallel_loop3A_522 = tpu.memref_slice %arg5[%select_n3A_404, %parallel_loop3A_520, %parallel_loop3A_521] : memref<4x6x2048xf32, #tpu.memory_space<vmem>> -> memref<1x6x2048xf32, #tpu.memory_space<vmem>>
        %parallel_loop3A_523 = tpu.memref_squeeze %parallel_loop3A_522 : memref<1x6x2048xf32, #tpu.memory_space<vmem>> -> memref<6x2048xf32, #tpu.memory_space<vmem>>
        %parallel_loop3A_524 = arith.index_cast %parallel_loop3A_519 : i32 to index
        %parallel_loop3A_525 = arith.index_cast %parallel_loop3A_478 : i32 to index
        %parallel_loop3A_526 = tpu.vector_load %parallel_loop3A_523[%parallel_loop3A_524, %parallel_loop3A_525] {strides = array<i32>} : memref<6x2048xf32, #tpu.memory_space<vmem>>, vector<16xf32>,
        %parallel_loop3A_527 = arith.constant 2048 : i32
        %parallel_loop3A_528 = arith.muli %select_n3A_404, %parallel_loop3A_527 : i32
        %parallel_loop3A_529 = arith.addi %parallel_loop3A_528, %parallel_loop3A_478 : i32
        %parallel_loop3A_530 = arith.index_cast %parallel_loop3A_529 : i32 to index
        %parallel_loop3A_531 = tpu.vector_load %arg6[%parallel_loop3A_530] {strides = array<i32>} : memref<8192xf32, #tpu.memory_space<vmem>>, vector<16xf32>,
        %parallel_loop3A_532 = arith.constant 0 : i32
        %parallel_loop3A_533 = arith.constant 0 : i32
        %parallel_loop3A_534 = arith.constant 0 : i32
        %parallel_loop3A_535 = tpu.memref_slice %arg7[%select_n3A_404, %parallel_loop3A_533, %parallel_loop3A_534] : memref<4x4x2048xf32, #tpu.memory_space<vmem>> -> memref<1x4x2048xf32, #tpu.memory_space<vmem>>
        %parallel_loop3A_536 = tpu.memref_squeeze %parallel_loop3A_535 : memref<1x4x2048xf32, #tpu.memory_space<vmem>> -> memref<4x2048xf32, #tpu.memory_space<vmem>>
        %parallel_loop3A_537 = arith.index_cast %parallel_loop3A_532 : i32 to index
        %parallel_loop3A_538 = arith.index_cast %parallel_loop3A_478 : i32 to index
        %parallel_loop3A_539 = tpu.vector_load %parallel_loop3A_536[%parallel_loop3A_537, %parallel_loop3A_538] {strides = array<i32>} : memref<4x2048xf32, #tpu.memory_space<vmem>>, vector<16xf32>,
        %parallel_loop3A_540 = arith.constant 1 : i32
        %parallel_loop3A_541 = arith.constant 0 : i32
        %parallel_loop3A_542 = arith.constant 0 : i32
        %parallel_loop3A_543 = tpu.memref_slice %arg7[%select_n3A_404, %parallel_loop3A_541, %parallel_loop3A_542] : memref<4x4x2048xf32, #tpu.memory_space<vmem>> -> memref<1x4x2048xf32, #tpu.memory_space<vmem>>
        %parallel_loop3A_544 = tpu.memref_squeeze %parallel_loop3A_543 : memref<1x4x2048xf32, #tpu.memory_space<vmem>> -> memref<4x2048xf32, #tpu.memory_space<vmem>>
        %parallel_loop3A_545 = arith.index_cast %parallel_loop3A_540 : i32 to index
        %parallel_loop3A_546 = arith.index_cast %parallel_loop3A_478 : i32 to index
        %parallel_loop3A_547 = tpu.vector_load %parallel_loop3A_544[%parallel_loop3A_545, %parallel_loop3A_546] {strides = array<i32>} : memref<4x2048xf32, #tpu.memory_space<vmem>>, vector<16xf32>,
        %parallel_loop3A_548 = arith.constant 2 : i32
        %parallel_loop3A_549 = arith.constant 0 : i32
        %parallel_loop3A_550 = arith.constant 0 : i32
        %parallel_loop3A_551 = tpu.memref_slice %arg7[%select_n3A_404, %parallel_loop3A_549, %parallel_loop3A_550] : memref<4x4x2048xf32, #tpu.memory_space<vmem>> -> memref<1x4x2048xf32, #tpu.memory_space<vmem>>
        %parallel_loop3A_552 = tpu.memref_squeeze %parallel_loop3A_551 : memref<1x4x2048xf32, #tpu.memory_space<vmem>> -> memref<4x2048xf32, #tpu.memory_space<vmem>>
        %parallel_loop3A_553 = arith.index_cast %parallel_loop3A_548 : i32 to index
        %parallel_loop3A_554 = arith.index_cast %parallel_loop3A_478 : i32 to index
        %parallel_loop3A_555 = tpu.vector_load %parallel_loop3A_552[%parallel_loop3A_553, %parallel_loop3A_554] {strides = array<i32>} : memref<4x2048xf32, #tpu.memory_space<vmem>>, vector<16xf32>,
        %parallel_loop3A_556 = arith.constant 3 : i32
        %parallel_loop3A_557 = arith.constant 0 : i32
        %parallel_loop3A_558 = arith.constant 0 : i32
        %parallel_loop3A_559 = tpu.memref_slice %arg7[%select_n3A_404, %parallel_loop3A_557, %parallel_loop3A_558] : memref<4x4x2048xf32, #tpu.memory_space<vmem>> -> memref<1x4x2048xf32, #tpu.memory_space<vmem>>
        %parallel_loop3A_560 = tpu.memref_squeeze %parallel_loop3A_559 : memref<1x4x2048xf32, #tpu.memory_space<vmem>> -> memref<4x2048xf32, #tpu.memory_space<vmem>>
        %parallel_loop3A_561 = arith.index_cast %parallel_loop3A_556 : i32 to index
        %parallel_loop3A_562 = arith.index_cast %parallel_loop3A_478 : i32 to index
        %parallel_loop3A_563 = tpu.vector_load %parallel_loop3A_560[%parallel_loop3A_561, %parallel_loop3A_562] {strides = array<i32>} : memref<4x2048xf32, #tpu.memory_space<vmem>>, vector<16xf32>,
        %parallel_loop3A_564 = arith.maximumf %parallel_loop3A_486, %parallel_loop3A_494 : vector<16xf32>
        %parallel_loop3A_565 = arith.maximumf %parallel_loop3A_502, %parallel_loop3A_510 : vector<16xf32>
        %parallel_loop3A_566 = arith.maximumf %parallel_loop3A_564, %parallel_loop3A_565 : vector<16xf32>
        %parallel_loop3A_567 = arith.maximumf %parallel_loop3A_518, %parallel_loop3A_526 : vector<16xf32>
        %parallel_loop3A_568 = arith.maximumf %parallel_loop3A_566, %parallel_loop3A_567 : vector<16xf32>
        %parallel_loop3A_569 = arith.cmpf olt, %parallel_loop3A_486, %parallel_loop3A_568 : vector<16xf32>
        %parallel_loop3A_570 = arith.cmpf olt, %parallel_loop3A_494, %parallel_loop3A_568 : vector<16xf32>
        %parallel_loop3A_571 = arith.cmpf olt, %parallel_loop3A_502, %parallel_loop3A_568 : vector<16xf32>
        %parallel_loop3A_572 = arith.cmpf olt, %parallel_loop3A_510, %parallel_loop3A_568 : vector<16xf32>
        %parallel_loop3A_573 = arith.constant dense<true> : vector<16xi1>
        %parallel_loop3A_574 = arith.xori %parallel_loop3A_570, %parallel_loop3A_573 : vector<16xi1>
        %parallel_loop3A_575 = arith.andi %parallel_loop3A_569, %parallel_loop3A_574 : vector<16xi1>
        %parallel_loop3A_576 = arith.andi %parallel_loop3A_569, %parallel_loop3A_570 : vector<16xi1>
        %parallel_loop3A_577 = arith.andi %parallel_loop3A_576, %parallel_loop3A_571 : vector<16xi1>
        %parallel_loop3A_578 = arith.constant dense<true> : vector<16xi1>
        %parallel_loop3A_579 = arith.xori %parallel_loop3A_572, %parallel_loop3A_578 : vector<16xi1>
        %parallel_loop3A_580 = arith.andi %parallel_loop3A_577, %parallel_loop3A_579 : vector<16xi1>
        %parallel_loop3A_581 = arith.constant 5.000000e-01 : f32
        %parallel_loop3A_582 = vector.broadcast %parallel_loop3A_581 : f32 to vector<16xf32>
        %parallel_loop3A_583 = arith.cmpf ogt, %parallel_loop3A_555, %parallel_loop3A_582 : vector<16xf32>
        %parallel_loop3A_584 = arith.constant 5.000000e-01 : f32
        %parallel_loop3A_585 = vector.broadcast %parallel_loop3A_584 : f32 to vector<16xf32>
        %parallel_loop3A_586 = arith.cmpf ogt, %parallel_loop3A_563, %parallel_loop3A_585 : vector<16xf32>
        %parallel_loop3A_587 = arith.andi %parallel_loop3A_575, %lt3A_62 : vector<16xi1>
        %parallel_loop3A_588 = arith.cmpf olt, %gather3A, %parallel_loop3A_539 : vector<16xf32>
        %parallel_loop3A_589 = arith.andi %parallel_loop3A_580, %or3A : vector<16xi1>
        %parallel_loop3A_590 = arith.constant dense<true> : vector<16xi1>
        %parallel_loop3A_591 = arith.xori %parallel_loop3A_587, %parallel_loop3A_590 : vector<16xi1>
        %parallel_loop3A_592 = arith.constant dense<true> : vector<16xi1>
        %parallel_loop3A_593 = arith.xori %parallel_loop3A_580, %parallel_loop3A_592 : vector<16xi1>
        %parallel_loop3A_594 = arith.andi %parallel_loop3A_591, %parallel_loop3A_593 : vector<16xi1>
        %parallel_loop3A_595 = arith.andi %parallel_loop3A_594, %parallel_loop3A_583 : vector<16xi1>
        %parallel_loop3A_596 = arith.ori %lt3A_62, %parallel_loop3A_588 : vector<16xi1>
        %parallel_loop3A_597 = arith.andi %parallel_loop3A_595, %parallel_loop3A_596 : vector<16xi1>
        %parallel_loop3A_598 = arith.constant dense<true> : vector<16xi1>
        %parallel_loop3A_599 = arith.xori %parallel_loop3A_583, %parallel_loop3A_598 : vector<16xi1>
        %parallel_loop3A_600 = arith.andi %parallel_loop3A_594, %parallel_loop3A_599 : vector<16xi1>
        %parallel_loop3A_601 = arith.andi %parallel_loop3A_600, %parallel_loop3A_586 : vector<16xi1>
        %parallel_loop3A_602 = arith.andi %parallel_loop3A_601, %or3A_79 : vector<16xi1>
        %parallel_loop3A_603 = arith.constant dense<true> : vector<16xi1>
        %parallel_loop3A_604 = arith.xori %parallel_loop3A_586, %parallel_loop3A_603 : vector<16xi1>
        %parallel_loop3A_605 = arith.andi %parallel_loop3A_600, %parallel_loop3A_604 : vector<16xi1>
        %parallel_loop3A_606 = arith.andi %parallel_loop3A_605, %parallel_loop3A_575 : vector<16xi1>
        %parallel_loop3A_607 = arith.constant 5.000000e-01 : f32
        %parallel_loop3A_608 = vector.broadcast %parallel_loop3A_607 : f32 to vector<16xf32>
        %parallel_loop3A_609 = arith.mulf %parallel_loop3A_531, %parallel_loop3A_608 : vector<16xf32>
        %parallel_loop3A_610 = arith.cmpf olt, %gather3A_54, %parallel_loop3A_609 : vector<16xf32>
        %parallel_loop3A_611 = arith.andi %parallel_loop3A_606, %parallel_loop3A_610 : vector<16xi1>
        %parallel_loop3A_612 = arith.constant 0.000000e+00 : f32
        %parallel_loop3A_613 = vector.broadcast %parallel_loop3A_612 : f32 to vector<16xf32>
        %parallel_loop3A_614 = arith.cmpf ogt, %parallel_loop3A_547, %parallel_loop3A_613 : vector<16xf32>
        %parallel_loop3A_615 = arith.cmpf ogt, %gather3A, %parallel_loop3A_547 : vector<16xf32>
        %parallel_loop3A_616 = arith.andi %parallel_loop3A_614, %parallel_loop3A_615 : vector<16xi1>
        %parallel_loop3A_617 = arith.ori %parallel_loop3A_616, %parallel_loop3A_588 : vector<16xi1>
        %parallel_loop3A_618 = arith.ori %parallel_loop3A_587, %parallel_loop3A_589 : vector<16xi1>
        %parallel_loop3A_619 = arith.ori %parallel_loop3A_618, %parallel_loop3A_597 : vector<16xi1>
        %parallel_loop3A_620 = arith.ori %parallel_loop3A_619, %parallel_loop3A_602 : vector<16xi1>
        %parallel_loop3A_621 = arith.ori %parallel_loop3A_620, %parallel_loop3A_611 : vector<16xi1>
        %parallel_loop3A_622 = arith.ori %parallel_loop3A_621, %parallel_loop3A_617 : vector<16xi1>
        %parallel_loop3A_623 = arith.select %parallel_loop3A_622, %broadcast_in_dim3A_81, %broadcast_in_dim3A_83 : vector<16xi1>, vector<16xf32>
        %parallel_loop3A_624 = arith.constant 2048 : i32
        %parallel_loop3A_625 = arith.muli %select_n3A_404, %parallel_loop3A_624 : i32
        %parallel_loop3A_626 = arith.addi %parallel_loop3A_625, %parallel_loop3A_478 : i32
        %parallel_loop3A_627 = arith.index_cast %parallel_loop3A_626 : i32 to index
        %parallel_loop3A_628 = tpu.vector_load %arg8[%parallel_loop3A_627] {strides = array<i32>} : memref<8192xf32, #tpu.memory_space<vmem>>, vector<16xf32>,
        tpu.vector_store %arg8[%parallel_loop3A_627], %parallel_loop3A_623 {strides = array<i32>} : memref<8192xf32, #tpu.memory_space<vmem>>, vector<16xf32>,
      } {sc.loop_unroll_factor = 4 : i64, sc.parallel_access}
      %mul3A_461 = arith.constant 2048 : i32
      %mul3A_462 = arith.muli %select_n3A_404, %mul3A_461 : i32
      %add3A_463 = arith.addi %select_n3A, %while3A_388 : i32
      %mul3A_464 = arith.constant 16 : i32
      %mul3A_465 = arith.muli %add3A_463, %mul3A_464 : i32
      %min3A_466 = arith.constant 24984 : i32
      %min3A_467 = arith.minsi %mul3A_465, %min3A_466 : i32
      %mul3A_468 = arith.constant 128 : i32
      %mul3A_469 = arith.muli %min3A_467, %mul3A_468 : i32
      %dma_start3A_470 = tpu.memref_slice %arg8[%mul3A_462] : memref<8192xf32, #tpu.memory_space<vmem>> -> memref<2048xf32, #tpu.memory_space<vmem>>
      %dma_start3A_471 = tpu.memref_slice %arg4[%mul3A_469] : memref<3200000xf32, #tpu.memory_space<hbm>> -> memref<2048xf32, #tpu.memory_space<hbm>>
      %dma_start3A_472 = tpu.memref_slice %arg13[%select_n3A_404] : memref<4x!tpu.dma_semaphore, #tpu.memory_space<semaphore_mem>> -> memref<1x!tpu.dma_semaphore, #tpu.memory_space<semaphore_mem>>
      %dma_start3A_473 = tpu.memref_squeeze %dma_start3A_472 : memref<1x!tpu.dma_semaphore, #tpu.memory_space<semaphore_mem>> -> memref<!tpu.dma_semaphore, #tpu.memory_space<semaphore_mem>>
      %dma_start3A_474 = tpu.memref_slice %arg4[%mul3A_469] : memref<3200000xf32, #tpu.memory_space<hbm>> -> memref<2048xf32, #tpu.memory_space<hbm>>
      %dma_start3A_475 = tpu.memref_slice %arg8[%mul3A_462] : memref<8192xf32, #tpu.memory_space<vmem>> -> memref<2048xf32, #tpu.memory_space<vmem>>
      tpu.enqueue_dma source(%dma_start3A_475 : memref<2048xf32, #tpu.memory_space<vmem>>) target(%dma_start3A_474 : memref<2048xf32, #tpu.memory_space<hbm>>) target_semaphore(%dma_start3A_473 : memref<!tpu.dma_semaphore, #tpu.memory_space<semaphore_mem>>)
    }
    %while3A_249 = arith.constant 1 : i32
    scf.for %while3A_388 = %while3A_247 to %while3A_243 step %while3A_249  : i32 {
      %jit3A_389 = arith.constant 4 : i32
      %eq3A_390 = arith.constant 0 : i32
      %eq3A_391 = arith.cmpi eq, %jit3A_389, %eq3A_390 : i32
      %jit3A_392 = arith.constant 1 : i32
      %select_n3A_393 = arith.select %eq3A_391, %jit3A_392, %jit3A_389 : i32
      %rem3A_394 = arith.remsi %while3A_388, %select_n3A_393 : i32
      %ne3A_395 = arith.constant 0 : i32
      %ne3A_396 = arith.cmpi ne, %rem3A_394, %ne3A_395 : i32
      %lt3A_397 = arith.constant 0 : i32
      %lt3A_398 = arith.cmpi slt, %rem3A_394, %lt3A_397 : i32
      %lt3A_399 = arith.constant 0 : i32
      %lt3A_400 = arith.cmpi slt, %select_n3A_393, %lt3A_399 : i32
      %ne3A_401 = arith.xori %lt3A_398, %lt3A_400 : i1
      %and3A_402 = arith.andi %ne3A_401, %ne3A_396 : i1
      %add3A_403 = arith.addi %rem3A_394, %select_n3A_393 : i32
      %select_n3A_404 = arith.select %and3A_402, %add3A_403, %rem3A_394 : i32
      %add3A_405 = arith.constant 3 : i32
      %add3A_406 = arith.addi %while3A_388, %add3A_405 : i32
      %lt3A_407 = arith.cmpi slt, %add3A_406, %sub3A_47 : i32
      %convert_element_type3A = arith.extui %lt3A_407 : i1 to i32
      %cond3A = arith.constant 0 : i32
      %cond3A_408 = arith.cmpi ne, %convert_element_type3A, %cond3A : i32
      scf.if %cond3A_408 {
        %add3A_476 = arith.constant 3 : i32
        %add3A_477 = arith.addi %while3A_388, %add3A_476 : i32
        %add3A_478 = arith.constant 3 : i32
        %add3A_479 = arith.addi %while3A_388, %add3A_478 : i32
        %jit3A_480 = arith.constant 4 : i32
        %eq3A_481 = arith.constant 0 : i32
        %eq3A_482 = arith.cmpi eq, %jit3A_480, %eq3A_481 : i32
        %jit3A_483 = arith.constant 1 : i32
        %select_n3A_484 = arith.select %eq3A_482, %jit3A_483, %jit3A_480 : i32
        %rem3A_485 = arith.remsi %add3A_479, %select_n3A_484 : i32
        %ne3A_486 = arith.constant 0 : i32
        %ne3A_487 = arith.cmpi ne, %rem3A_485, %ne3A_486 : i32
        %lt3A_488 = arith.constant 0 : i32
        %lt3A_489 = arith.cmpi slt, %rem3A_485, %lt3A_488 : i32
        %lt3A_490 = arith.constant 0 : i32
        %lt3A_491 = arith.cmpi slt, %select_n3A_484, %lt3A_490 : i32
        %ne3A_492 = arith.xori %lt3A_489, %lt3A_491 : i1
        %and3A_493 = arith.andi %ne3A_492, %ne3A_487 : i1
        %add3A_494 = arith.addi %rem3A_485, %select_n3A_484 : i32
        %select_n3A_495 = arith.select %and3A_493, %add3A_494, %rem3A_485 : i32
        %add3A_496 = arith.addi %select_n3A, %add3A_477 : i32
        %mul3A_497 = arith.constant 16 : i32
        %mul3A_498 = arith.muli %add3A_496, %mul3A_497 : i32
        %min3A_499 = arith.constant 24984 : i32
        %min3A_500 = arith.minsi %mul3A_498, %min3A_499 : i32
        %mul3A_501 = arith.constant 128 : i32
        %mul3A_502 = arith.muli %min3A_500, %mul3A_501 : i32
        %mul3A_503 = arith.constant 2048 : i32
        %mul3A_504 = arith.muli %select_n3A_495, %mul3A_503 : i32
        %dma_start3A_505 = arith.constant 0 : i32
        %dma_start3A_506 = arith.constant 0 : i32
        %dma_start3A_507 = tpu.memref_slice %arg5[%select_n3A_495, %dma_start3A_505, %dma_start3A_506] : memref<4x6x2048xf32, #tpu.memory_space<vmem>> -> memref<1x6x2048xf32, #tpu.memory_space<vmem>>
        %dma_start3A_508 = tpu.memref_squeeze %dma_start3A_507 : memref<1x6x2048xf32, #tpu.memory_space<vmem>> -> memref<6x2048xf32, #tpu.memory_space<vmem>>
        %dma_start3A_509 = arith.constant 0 : i32
        %dma_start3A_510 = tpu.memref_slice %arg2[%dma_start3A_509, %mul3A_502] : memref<16x3200000xf32, #tpu.memory_space<hbm>> -> memref<6x2048xf32, #tpu.memory_space<hbm>>
        %dma_start3A_511 = tpu.memref_slice %arg10[%select_n3A_495] : memref<4x!tpu.dma_semaphore, #tpu.memory_space<semaphore_mem>> -> memref<1x!tpu.dma_semaphore, #tpu.memory_space<semaphore_mem>>
        %dma_start3A_512 = tpu.memref_squeeze %dma_start3A_511 : memref<1x!tpu.dma_semaphore, #tpu.memory_space<semaphore_mem>> -> memref<!tpu.dma_semaphore, #tpu.memory_space<semaphore_mem>>
        %dma_start3A_513 = arith.constant 0 : i32
        %dma_start3A_514 = arith.constant 0 : i32
        %dma_start3A_515 = tpu.memref_slice %arg5[%select_n3A_495, %dma_start3A_513, %dma_start3A_514] : memref<4x6x2048xf32, #tpu.memory_space<vmem>> -> memref<1x6x2048xf32, #tpu.memory_space<vmem>>
        %dma_start3A_516 = tpu.memref_squeeze %dma_start3A_515 : memref<1x6x2048xf32, #tpu.memory_space<vmem>> -> memref<6x2048xf32, #tpu.memory_space<vmem>>
        %dma_start3A_517 = arith.constant 0 : i32
        %dma_start3A_518 = tpu.memref_slice %arg2[%dma_start3A_517, %mul3A_502] : memref<16x3200000xf32, #tpu.memory_space<hbm>> -> memref<6x2048xf32, #tpu.memory_space<hbm>>
        tpu.enqueue_dma source(%dma_start3A_518 : memref<6x2048xf32, #tpu.memory_space<hbm>>) target(%dma_start3A_516 : memref<6x2048xf32, #tpu.memory_space<vmem>>) target_semaphore(%dma_start3A_512 : memref<!tpu.dma_semaphore, #tpu.memory_space<semaphore_mem>>)
        %dma_start3A_519 = arith.constant 10 : i32
        %dma_start3A_520 = tpu.memref_slice %arg6[%mul3A_504] : memref<8192xf32, #tpu.memory_space<vmem>> -> memref<2048xf32, #tpu.memory_space<vmem>>
        %dma_start3A_521 = tpu.memref_slice %arg2[%dma_start3A_519, %mul3A_502] : memref<16x3200000xf32, #tpu.memory_space<hbm>> -> memref<1x2048xf32, #tpu.memory_space<hbm>>
        %dma_start3A_522 = tpu.memref_squeeze %dma_start3A_521 : memref<1x2048xf32, #tpu.memory_space<hbm>> -> memref<2048xf32, #tpu.memory_space<hbm>>
        %dma_start3A_523 = tpu.memref_slice %arg11[%select_n3A_495] : memref<4x!tpu.dma_semaphore, #tpu.memory_space<semaphore_mem>> -> memref<1x!tpu.dma_semaphore, #tpu.memory_space<semaphore_mem>>
        %dma_start3A_524 = tpu.memref_squeeze %dma_start3A_523 : memref<1x!tpu.dma_semaphore, #tpu.memory_space<semaphore_mem>> -> memref<!tpu.dma_semaphore, #tpu.memory_space<semaphore_mem>>
        %dma_start3A_525 = tpu.memref_slice %arg6[%mul3A_504] : memref<8192xf32, #tpu.memory_space<vmem>> -> memref<2048xf32, #tpu.memory_space<vmem>>
        %dma_start3A_526 = tpu.memref_slice %arg2[%dma_start3A_519, %mul3A_502] : memref<16x3200000xf32, #tpu.memory_space<hbm>> -> memref<1x2048xf32, #tpu.memory_space<hbm>>
        %dma_start3A_527 = tpu.memref_squeeze %dma_start3A_526 : memref<1x2048xf32, #tpu.memory_space<hbm>> -> memref<2048xf32, #tpu.memory_space<hbm>>
        tpu.enqueue_dma source(%dma_start3A_527 : memref<2048xf32, #tpu.memory_space<hbm>>) target(%dma_start3A_525 : memref<2048xf32, #tpu.memory_space<vmem>>) target_semaphore(%dma_start3A_524 : memref<!tpu.dma_semaphore, #tpu.memory_space<semaphore_mem>>)
        %dma_start3A_528 = arith.constant 0 : i32
        %dma_start3A_529 = arith.constant 0 : i32
        %dma_start3A_530 = tpu.memref_slice %arg7[%select_n3A_495, %dma_start3A_528, %dma_start3A_529] : memref<4x4x2048xf32, #tpu.memory_space<vmem>> -> memref<1x4x2048xf32, #tpu.memory_space<vmem>>
        %dma_start3A_531 = tpu.memref_squeeze %dma_start3A_530 : memref<1x4x2048xf32, #tpu.memory_space<vmem>> -> memref<4x2048xf32, #tpu.memory_space<vmem>>
        %dma_start3A_532 = arith.constant 12 : i32
        %dma_start3A_533 = tpu.memref_slice %arg2[%dma_start3A_532, %mul3A_502] : memref<16x3200000xf32, #tpu.memory_space<hbm>> -> memref<4x2048xf32, #tpu.memory_space<hbm>>
        %dma_start3A_534 = tpu.memref_slice %arg12[%select_n3A_495] : memref<4x!tpu.dma_semaphore, #tpu.memory_space<semaphore_mem>> -> memref<1x!tpu.dma_semaphore, #tpu.memory_space<semaphore_mem>>
        %dma_start3A_535 = tpu.memref_squeeze %dma_start3A_534 : memref<1x!tpu.dma_semaphore, #tpu.memory_space<semaphore_mem>> -> memref<!tpu.dma_semaphore, #tpu.memory_space<semaphore_mem>>
        %dma_start3A_536 = arith.constant 0 : i32
        %dma_start3A_537 = arith.constant 0 : i32
        %dma_start3A_538 = tpu.memref_slice %arg7[%select_n3A_495, %dma_start3A_536, %dma_start3A_537] : memref<4x4x2048xf32, #tpu.memory_space<vmem>> -> memref<1x4x2048xf32, #tpu.memory_space<vmem>>
        %dma_start3A_539 = tpu.memref_squeeze %dma_start3A_538 : memref<1x4x2048xf32, #tpu.memory_space<vmem>> -> memref<4x2048xf32, #tpu.memory_space<vmem>>
        %dma_start3A_540 = arith.constant 12 : i32
        %dma_start3A_541 = tpu.memref_slice %arg2[%dma_start3A_540, %mul3A_502] : memref<16x3200000xf32, #tpu.memory_space<hbm>> -> memref<4x2048xf32, #tpu.memory_space<hbm>>
        tpu.enqueue_dma source(%dma_start3A_541 : memref<4x2048xf32, #tpu.memory_space<hbm>>) target(%dma_start3A_539 : memref<4x2048xf32, #tpu.memory_space<vmem>>) target_semaphore(%dma_start3A_535 : memref<!tpu.dma_semaphore, #tpu.memory_space<semaphore_mem>>)
      } else {
      }
      %add3A_409 = arith.addi %select_n3A, %while3A_388 : i32
      %mul3A_410 = arith.constant 16 : i32
      %mul3A_411 = arith.muli %add3A_409, %mul3A_410 : i32
      %min3A_412 = arith.constant 24984 : i32
      %min3A_413 = arith.minsi %mul3A_411, %min3A_412 : i32
      %mul3A_414 = arith.constant 128 : i32
      %mul3A_415 = arith.muli %min3A_413, %mul3A_414 : i32
      %mul3A_416 = arith.constant 2048 : i32
      %mul3A_417 = arith.muli %select_n3A_404, %mul3A_416 : i32
      %dma_wait3A_418 = arith.constant 0 : i32
      %dma_wait3A_419 = arith.constant 0 : i32
      %dma_wait3A_420 = tpu.memref_slice %arg5[%select_n3A_404, %dma_wait3A_418, %dma_wait3A_419] : memref<4x6x2048xf32, #tpu.memory_space<vmem>> -> memref<1x6x2048xf32, #tpu.memory_space<vmem>>
      %dma_wait3A_421 = tpu.memref_squeeze %dma_wait3A_420 : memref<1x6x2048xf32, #tpu.memory_space<vmem>> -> memref<6x2048xf32, #tpu.memory_space<vmem>>
      %dma_wait3A_422 = arith.constant 0 : i32
      %dma_wait3A_423 = tpu.memref_slice %arg2[%dma_wait3A_422, %mul3A_415] : memref<16x3200000xf32, #tpu.memory_space<hbm>> -> memref<6x2048xf32, #tpu.memory_space<hbm>>
      %dma_wait3A_424 = tpu.memref_slice %arg10[%select_n3A_404] : memref<4x!tpu.dma_semaphore, #tpu.memory_space<semaphore_mem>> -> memref<1x!tpu.dma_semaphore, #tpu.memory_space<semaphore_mem>>
      %dma_wait3A_425 = tpu.memref_squeeze %dma_wait3A_424 : memref<1x!tpu.dma_semaphore, #tpu.memory_space<semaphore_mem>> -> memref<!tpu.dma_semaphore, #tpu.memory_space<semaphore_mem>>
      %dma_wait3A_426 = arith.constant 0 : i32
      %dma_wait3A_427 = arith.constant 0 : i32
      %dma_wait3A_428 = tpu.memref_slice %arg5[%select_n3A_404, %dma_wait3A_426, %dma_wait3A_427] : memref<4x6x2048xf32, #tpu.memory_space<vmem>> -> memref<1x6x2048xf32, #tpu.memory_space<vmem>>
      %dma_wait3A_429 = tpu.memref_squeeze %dma_wait3A_428 : memref<1x6x2048xf32, #tpu.memory_space<vmem>> -> memref<6x2048xf32, #tpu.memory_space<vmem>>
      %dma_wait3A_430 = arith.constant 0 : i32
      %dma_wait3A_431 = tpu.memref_slice %arg2[%dma_wait3A_430, %mul3A_415] : memref<16x3200000xf32, #tpu.memory_space<hbm>> -> memref<6x2048xf32, #tpu.memory_space<hbm>>
      tpu.wait_dma2 semaphore(%dma_wait3A_425 : memref<!tpu.dma_semaphore, #tpu.memory_space<semaphore_mem>>) src(%dma_wait3A_431 : memref<6x2048xf32, #tpu.memory_space<hbm>>) dst(%dma_wait3A_429 : memref<6x2048xf32, #tpu.memory_space<vmem>>)
      %dma_wait3A_432 = arith.constant 10 : i32
      %dma_wait3A_433 = tpu.memref_slice %arg6[%mul3A_417] : memref<8192xf32, #tpu.memory_space<vmem>> -> memref<2048xf32, #tpu.memory_space<vmem>>
      %dma_wait3A_434 = tpu.memref_slice %arg2[%dma_wait3A_432, %mul3A_415] : memref<16x3200000xf32, #tpu.memory_space<hbm>> -> memref<1x2048xf32, #tpu.memory_space<hbm>>
      %dma_wait3A_435 = tpu.memref_squeeze %dma_wait3A_434 : memref<1x2048xf32, #tpu.memory_space<hbm>> -> memref<2048xf32, #tpu.memory_space<hbm>>
      %dma_wait3A_436 = tpu.memref_slice %arg11[%select_n3A_404] : memref<4x!tpu.dma_semaphore, #tpu.memory_space<semaphore_mem>> -> memref<1x!tpu.dma_semaphore, #tpu.memory_space<semaphore_mem>>
      %dma_wait3A_437 = tpu.memref_squeeze %dma_wait3A_436 : memref<1x!tpu.dma_semaphore, #tpu.memory_space<semaphore_mem>> -> memref<!tpu.dma_semaphore, #tpu.memory_space<semaphore_mem>>
      %dma_wait3A_438 = tpu.memref_slice %arg6[%mul3A_417] : memref<8192xf32, #tpu.memory_space<vmem>> -> memref<2048xf32, #tpu.memory_space<vmem>>
      %dma_wait3A_439 = tpu.memref_slice %arg2[%dma_wait3A_432, %mul3A_415] : memref<16x3200000xf32, #tpu.memory_space<hbm>> -> memref<1x2048xf32, #tpu.memory_space<hbm>>
      %dma_wait3A_440 = tpu.memref_squeeze %dma_wait3A_439 : memref<1x2048xf32, #tpu.memory_space<hbm>> -> memref<2048xf32, #tpu.memory_space<hbm>>
      tpu.wait_dma2 semaphore(%dma_wait3A_437 : memref<!tpu.dma_semaphore, #tpu.memory_space<semaphore_mem>>) src(%dma_wait3A_440 : memref<2048xf32, #tpu.memory_space<hbm>>) dst(%dma_wait3A_438 : memref<2048xf32, #tpu.memory_space<vmem>>)
      %dma_wait3A_441 = arith.constant 0 : i32
      %dma_wait3A_442 = arith.constant 0 : i32
      %dma_wait3A_443 = tpu.memref_slice %arg7[%select_n3A_404, %dma_wait3A_441, %dma_wait3A_442] : memref<4x4x2048xf32, #tpu.memory_space<vmem>> -> memref<1x4x2048xf32, #tpu.memory_space<vmem>>
      %dma_wait3A_444 = tpu.memref_squeeze %dma_wait3A_443 : memref<1x4x2048xf32, #tpu.memory_space<vmem>> -> memref<4x2048xf32, #tpu.memory_space<vmem>>
      %dma_wait3A_445 = arith.constant 12 : i32
      %dma_wait3A_446 = tpu.memref_slice %arg2[%dma_wait3A_445, %mul3A_415] : memref<16x3200000xf32, #tpu.memory_space<hbm>> -> memref<4x2048xf32, #tpu.memory_space<hbm>>
      %dma_wait3A_447 = tpu.memref_slice %arg12[%select_n3A_404] : memref<4x!tpu.dma_semaphore, #tpu.memory_space<semaphore_mem>> -> memref<1x!tpu.dma_semaphore, #tpu.memory_space<semaphore_mem>>
      %dma_wait3A_448 = tpu.memref_squeeze %dma_wait3A_447 : memref<1x!tpu.dma_semaphore, #tpu.memory_space<semaphore_mem>> -> memref<!tpu.dma_semaphore, #tpu.memory_space<semaphore_mem>>
      %dma_wait3A_449 = arith.constant 0 : i32
      %dma_wait3A_450 = arith.constant 0 : i32
      %dma_wait3A_451 = tpu.memref_slice %arg7[%select_n3A_404, %dma_wait3A_449, %dma_wait3A_450] : memref<4x4x2048xf32, #tpu.memory_space<vmem>> -> memref<1x4x2048xf32, #tpu.memory_space<vmem>>
      %dma_wait3A_452 = tpu.memref_squeeze %dma_wait3A_451 : memref<1x4x2048xf32, #tpu.memory_space<vmem>> -> memref<4x2048xf32, #tpu.memory_space<vmem>>
      %dma_wait3A_453 = arith.constant 12 : i32
      %dma_wait3A_454 = tpu.memref_slice %arg2[%dma_wait3A_453, %mul3A_415] : memref<16x3200000xf32, #tpu.memory_space<hbm>> -> memref<4x2048xf32, #tpu.memory_space<hbm>>
      tpu.wait_dma2 semaphore(%dma_wait3A_448 : memref<!tpu.dma_semaphore, #tpu.memory_space<semaphore_mem>>) src(%dma_wait3A_454 : memref<4x2048xf32, #tpu.memory_space<hbm>>) dst(%dma_wait3A_452 : memref<4x2048xf32, #tpu.memory_space<vmem>>)
      %ge3A = arith.constant 4 : i32
      %ge3A_455 = arith.cmpi sge, %while3A_388, %ge3A : i32
      %convert_element_type3A_456 = arith.extui %ge3A_455 : i1 to i32
      %cond3A_457 = arith.constant 0 : i32
      %cond3A_458 = arith.cmpi ne, %convert_element_type3A_456, %cond3A_457 : i32
      scf.if %cond3A_458 {
        %sub3A_476 = arith.constant 4 : i32
        %sub3A_477 = arith.subi %while3A_388, %sub3A_476 : i32
        %mul3A_478 = arith.constant 2048 : i32
        %mul3A_479 = arith.muli %select_n3A_404, %mul3A_478 : i32
        %add3A_480 = arith.addi %select_n3A, %sub3A_477 : i32
        %mul3A_481 = arith.constant 16 : i32
        %mul3A_482 = arith.muli %add3A_480, %mul3A_481 : i32
        %min3A_483 = arith.constant 24984 : i32
        %min3A_484 = arith.minsi %mul3A_482, %min3A_483 : i32
        %mul3A_485 = arith.constant 128 : i32
        %mul3A_486 = arith.muli %min3A_484, %mul3A_485 : i32
        %dma_wait3A_487 = tpu.memref_slice %arg8[%mul3A_479] : memref<8192xf32, #tpu.memory_space<vmem>> -> memref<2048xf32, #tpu.memory_space<vmem>>
        %dma_wait3A_488 = tpu.memref_slice %arg4[%mul3A_486] : memref<3200000xf32, #tpu.memory_space<hbm>> -> memref<2048xf32, #tpu.memory_space<hbm>>
        %dma_wait3A_489 = tpu.memref_slice %arg13[%select_n3A_404] : memref<4x!tpu.dma_semaphore, #tpu.memory_space<semaphore_mem>> -> memref<1x!tpu.dma_semaphore, #tpu.memory_space<semaphore_mem>>
        %dma_wait3A_490 = tpu.memref_squeeze %dma_wait3A_489 : memref<1x!tpu.dma_semaphore, #tpu.memory_space<semaphore_mem>> -> memref<!tpu.dma_semaphore, #tpu.memory_space<semaphore_mem>>
        %dma_wait3A_491 = tpu.memref_slice %arg4[%mul3A_486] : memref<3200000xf32, #tpu.memory_space<hbm>> -> memref<2048xf32, #tpu.memory_space<hbm>>
        %dma_wait3A_492 = tpu.memref_slice %arg8[%mul3A_479] : memref<8192xf32, #tpu.memory_space<vmem>> -> memref<2048xf32, #tpu.memory_space<vmem>>
        tpu.wait_dma2 semaphore(%dma_wait3A_490 : memref<!tpu.dma_semaphore, #tpu.memory_space<semaphore_mem>>) src(%dma_wait3A_492 : memref<2048xf32, #tpu.memory_space<vmem>>) dst(%dma_wait3A_491 : memref<2048xf32, #tpu.memory_space<hbm>>)
      } else {
      }
      %parallel_loop3A = arith.constant 0 : i32
      %parallel_loop3A_459 = arith.constant 128 : i32
      %parallel_loop3A_460 = arith.constant 1 : i32
      scf.for %parallel_loop3A_476 = %parallel_loop3A to %parallel_loop3A_459 step %parallel_loop3A_460  : i32 {
        %parallel_loop3A_477 = arith.constant 16 : i32
        %parallel_loop3A_478 = arith.muli %parallel_loop3A_476, %parallel_loop3A_477 : i32
        %parallel_loop3A_479 = arith.constant 0 : i32
        %parallel_loop3A_480 = arith.constant 0 : i32
        %parallel_loop3A_481 = arith.constant 0 : i32
        %parallel_loop3A_482 = tpu.memref_slice %arg5[%select_n3A_404, %parallel_loop3A_480, %parallel_loop3A_481] : memref<4x6x2048xf32, #tpu.memory_space<vmem>> -> memref<1x6x2048xf32, #tpu.memory_space<vmem>>
        %parallel_loop3A_483 = tpu.memref_squeeze %parallel_loop3A_482 : memref<1x6x2048xf32, #tpu.memory_space<vmem>> -> memref<6x2048xf32, #tpu.memory_space<vmem>>
        %parallel_loop3A_484 = arith.index_cast %parallel_loop3A_479 : i32 to index
        %parallel_loop3A_485 = arith.index_cast %parallel_loop3A_478 : i32 to index
        %parallel_loop3A_486 = tpu.vector_load %parallel_loop3A_483[%parallel_loop3A_484, %parallel_loop3A_485] {strides = array<i32>} : memref<6x2048xf32, #tpu.memory_space<vmem>>, vector<16xf32>,
        %parallel_loop3A_487 = arith.constant 1 : i32
        %parallel_loop3A_488 = arith.constant 0 : i32
        %parallel_loop3A_489 = arith.constant 0 : i32
        %parallel_loop3A_490 = tpu.memref_slice %arg5[%select_n3A_404, %parallel_loop3A_488, %parallel_loop3A_489] : memref<4x6x2048xf32, #tpu.memory_space<vmem>> -> memref<1x6x2048xf32, #tpu.memory_space<vmem>>
        %parallel_loop3A_491 = tpu.memref_squeeze %parallel_loop3A_490 : memref<1x6x2048xf32, #tpu.memory_space<vmem>> -> memref<6x2048xf32, #tpu.memory_space<vmem>>
        %parallel_loop3A_492 = arith.index_cast %parallel_loop3A_487 : i32 to index
        %parallel_loop3A_493 = arith.index_cast %parallel_loop3A_478 : i32 to index
        %parallel_loop3A_494 = tpu.vector_load %parallel_loop3A_491[%parallel_loop3A_492, %parallel_loop3A_493] {strides = array<i32>} : memref<6x2048xf32, #tpu.memory_space<vmem>>, vector<16xf32>,
        %parallel_loop3A_495 = arith.constant 2 : i32
        %parallel_loop3A_496 = arith.constant 0 : i32
        %parallel_loop3A_497 = arith.constant 0 : i32
        %parallel_loop3A_498 = tpu.memref_slice %arg5[%select_n3A_404, %parallel_loop3A_496, %parallel_loop3A_497] : memref<4x6x2048xf32, #tpu.memory_space<vmem>> -> memref<1x6x2048xf32, #tpu.memory_space<vmem>>
        %parallel_loop3A_499 = tpu.memref_squeeze %parallel_loop3A_498 : memref<1x6x2048xf32, #tpu.memory_space<vmem>> -> memref<6x2048xf32, #tpu.memory_space<vmem>>
        %parallel_loop3A_500 = arith.index_cast %parallel_loop3A_495 : i32 to index
        %parallel_loop3A_501 = arith.index_cast %parallel_loop3A_478 : i32 to index
        %parallel_loop3A_502 = tpu.vector_load %parallel_loop3A_499[%parallel_loop3A_500, %parallel_loop3A_501] {strides = array<i32>} : memref<6x2048xf32, #tpu.memory_space<vmem>>, vector<16xf32>,
        %parallel_loop3A_503 = arith.constant 3 : i32
        %parallel_loop3A_504 = arith.constant 0 : i32
        %parallel_loop3A_505 = arith.constant 0 : i32
        %parallel_loop3A_506 = tpu.memref_slice %arg5[%select_n3A_404, %parallel_loop3A_504, %parallel_loop3A_505] : memref<4x6x2048xf32, #tpu.memory_space<vmem>> -> memref<1x6x2048xf32, #tpu.memory_space<vmem>>
        %parallel_loop3A_507 = tpu.memref_squeeze %parallel_loop3A_506 : memref<1x6x2048xf32, #tpu.memory_space<vmem>> -> memref<6x2048xf32, #tpu.memory_space<vmem>>
        %parallel_loop3A_508 = arith.index_cast %parallel_loop3A_503 : i32 to index
        %parallel_loop3A_509 = arith.index_cast %parallel_loop3A_478 : i32 to index
        %parallel_loop3A_510 = tpu.vector_load %parallel_loop3A_507[%parallel_loop3A_508, %parallel_loop3A_509] {strides = array<i32>} : memref<6x2048xf32, #tpu.memory_space<vmem>>, vector<16xf32>,
        %parallel_loop3A_511 = arith.constant 4 : i32
        %parallel_loop3A_512 = arith.constant 0 : i32
        %parallel_loop3A_513 = arith.constant 0 : i32
        %parallel_loop3A_514 = tpu.memref_slice %arg5[%select_n3A_404, %parallel_loop3A_512, %parallel_loop3A_513] : memref<4x6x2048xf32, #tpu.memory_space<vmem>> -> memref<1x6x2048xf32, #tpu.memory_space<vmem>>
        %parallel_loop3A_515 = tpu.memref_squeeze %parallel_loop3A_514 : memref<1x6x2048xf32, #tpu.memory_space<vmem>> -> memref<6x2048xf32, #tpu.memory_space<vmem>>
        %parallel_loop3A_516 = arith.index_cast %parallel_loop3A_511 : i32 to index
        %parallel_loop3A_517 = arith.index_cast %parallel_loop3A_478 : i32 to index
        %parallel_loop3A_518 = tpu.vector_load %parallel_loop3A_515[%parallel_loop3A_516, %parallel_loop3A_517] {strides = array<i32>} : memref<6x2048xf32, #tpu.memory_space<vmem>>, vector<16xf32>,
        %parallel_loop3A_519 = arith.constant 5 : i32
        %parallel_loop3A_520 = arith.constant 0 : i32
        %parallel_loop3A_521 = arith.constant 0 : i32
        %parallel_loop3A_522 = tpu.memref_slice %arg5[%select_n3A_404, %parallel_loop3A_520, %parallel_loop3A_521] : memref<4x6x2048xf32, #tpu.memory_space<vmem>> -> memref<1x6x2048xf32, #tpu.memory_space<vmem>>
        %parallel_loop3A_523 = tpu.memref_squeeze %parallel_loop3A_522 : memref<1x6x2048xf32, #tpu.memory_space<vmem>> -> memref<6x2048xf32, #tpu.memory_space<vmem>>
        %parallel_loop3A_524 = arith.index_cast %parallel_loop3A_519 : i32 to index
        %parallel_loop3A_525 = arith.index_cast %parallel_loop3A_478 : i32 to index
        %parallel_loop3A_526 = tpu.vector_load %parallel_loop3A_523[%parallel_loop3A_524, %parallel_loop3A_525] {strides = array<i32>} : memref<6x2048xf32, #tpu.memory_space<vmem>>, vector<16xf32>,
        %parallel_loop3A_527 = arith.constant 2048 : i32
        %parallel_loop3A_528 = arith.muli %select_n3A_404, %parallel_loop3A_527 : i32
        %parallel_loop3A_529 = arith.addi %parallel_loop3A_528, %parallel_loop3A_478 : i32
        %parallel_loop3A_530 = arith.index_cast %parallel_loop3A_529 : i32 to index
        %parallel_loop3A_531 = tpu.vector_load %arg6[%parallel_loop3A_530] {strides = array<i32>} : memref<8192xf32, #tpu.memory_space<vmem>>, vector<16xf32>,
        %parallel_loop3A_532 = arith.constant 0 : i32
        %parallel_loop3A_533 = arith.constant 0 : i32
        %parallel_loop3A_534 = arith.constant 0 : i32
        %parallel_loop3A_535 = tpu.memref_slice %arg7[%select_n3A_404, %parallel_loop3A_533, %parallel_loop3A_534] : memref<4x4x2048xf32, #tpu.memory_space<vmem>> -> memref<1x4x2048xf32, #tpu.memory_space<vmem>>
        %parallel_loop3A_536 = tpu.memref_squeeze %parallel_loop3A_535 : memref<1x4x2048xf32, #tpu.memory_space<vmem>> -> memref<4x2048xf32, #tpu.memory_space<vmem>>
        %parallel_loop3A_537 = arith.index_cast %parallel_loop3A_532 : i32 to index
        %parallel_loop3A_538 = arith.index_cast %parallel_loop3A_478 : i32 to index
        %parallel_loop3A_539 = tpu.vector_load %parallel_loop3A_536[%parallel_loop3A_537, %parallel_loop3A_538] {strides = array<i32>} : memref<4x2048xf32, #tpu.memory_space<vmem>>, vector<16xf32>,
        %parallel_loop3A_540 = arith.constant 1 : i32
        %parallel_loop3A_541 = arith.constant 0 : i32
        %parallel_loop3A_542 = arith.constant 0 : i32
        %parallel_loop3A_543 = tpu.memref_slice %arg7[%select_n3A_404, %parallel_loop3A_541, %parallel_loop3A_542] : memref<4x4x2048xf32, #tpu.memory_space<vmem>> -> memref<1x4x2048xf32, #tpu.memory_space<vmem>>
        %parallel_loop3A_544 = tpu.memref_squeeze %parallel_loop3A_543 : memref<1x4x2048xf32, #tpu.memory_space<vmem>> -> memref<4x2048xf32, #tpu.memory_space<vmem>>
        %parallel_loop3A_545 = arith.index_cast %parallel_loop3A_540 : i32 to index
        %parallel_loop3A_546 = arith.index_cast %parallel_loop3A_478 : i32 to index
        %parallel_loop3A_547 = tpu.vector_load %parallel_loop3A_544[%parallel_loop3A_545, %parallel_loop3A_546] {strides = array<i32>} : memref<4x2048xf32, #tpu.memory_space<vmem>>, vector<16xf32>,
        %parallel_loop3A_548 = arith.constant 2 : i32
        %parallel_loop3A_549 = arith.constant 0 : i32
        %parallel_loop3A_550 = arith.constant 0 : i32
        %parallel_loop3A_551 = tpu.memref_slice %arg7[%select_n3A_404, %parallel_loop3A_549, %parallel_loop3A_550] : memref<4x4x2048xf32, #tpu.memory_space<vmem>> -> memref<1x4x2048xf32, #tpu.memory_space<vmem>>
        %parallel_loop3A_552 = tpu.memref_squeeze %parallel_loop3A_551 : memref<1x4x2048xf32, #tpu.memory_space<vmem>> -> memref<4x2048xf32, #tpu.memory_space<vmem>>
        %parallel_loop3A_553 = arith.index_cast %parallel_loop3A_548 : i32 to index
        %parallel_loop3A_554 = arith.index_cast %parallel_loop3A_478 : i32 to index
        %parallel_loop3A_555 = tpu.vector_load %parallel_loop3A_552[%parallel_loop3A_553, %parallel_loop3A_554] {strides = array<i32>} : memref<4x2048xf32, #tpu.memory_space<vmem>>, vector<16xf32>,
        %parallel_loop3A_556 = arith.constant 3 : i32
        %parallel_loop3A_557 = arith.constant 0 : i32
        %parallel_loop3A_558 = arith.constant 0 : i32
        %parallel_loop3A_559 = tpu.memref_slice %arg7[%select_n3A_404, %parallel_loop3A_557, %parallel_loop3A_558] : memref<4x4x2048xf32, #tpu.memory_space<vmem>> -> memref<1x4x2048xf32, #tpu.memory_space<vmem>>
        %parallel_loop3A_560 = tpu.memref_squeeze %parallel_loop3A_559 : memref<1x4x2048xf32, #tpu.memory_space<vmem>> -> memref<4x2048xf32, #tpu.memory_space<vmem>>
        %parallel_loop3A_561 = arith.index_cast %parallel_loop3A_556 : i32 to index
        %parallel_loop3A_562 = arith.index_cast %parallel_loop3A_478 : i32 to index
        %parallel_loop3A_563 = tpu.vector_load %parallel_loop3A_560[%parallel_loop3A_561, %parallel_loop3A_562] {strides = array<i32>} : memref<4x2048xf32, #tpu.memory_space<vmem>>, vector<16xf32>,
        %parallel_loop3A_564 = arith.maximumf %parallel_loop3A_486, %parallel_loop3A_494 : vector<16xf32>
        %parallel_loop3A_565 = arith.maximumf %parallel_loop3A_502, %parallel_loop3A_510 : vector<16xf32>
        %parallel_loop3A_566 = arith.maximumf %parallel_loop3A_564, %parallel_loop3A_565 : vector<16xf32>
        %parallel_loop3A_567 = arith.maximumf %parallel_loop3A_518, %parallel_loop3A_526 : vector<16xf32>
        %parallel_loop3A_568 = arith.maximumf %parallel_loop3A_566, %parallel_loop3A_567 : vector<16xf32>
        %parallel_loop3A_569 = arith.cmpf olt, %parallel_loop3A_486, %parallel_loop3A_568 : vector<16xf32>
        %parallel_loop3A_570 = arith.cmpf olt, %parallel_loop3A_494, %parallel_loop3A_568 : vector<16xf32>
        %parallel_loop3A_571 = arith.cmpf olt, %parallel_loop3A_502, %parallel_loop3A_568 : vector<16xf32>
        %parallel_loop3A_572 = arith.cmpf olt, %parallel_loop3A_510, %parallel_loop3A_568 : vector<16xf32>
        %parallel_loop3A_573 = arith.constant dense<true> : vector<16xi1>
        %parallel_loop3A_574 = arith.xori %parallel_loop3A_570, %parallel_loop3A_573 : vector<16xi1>
        %parallel_loop3A_575 = arith.andi %parallel_loop3A_569, %parallel_loop3A_574 : vector<16xi1>
        %parallel_loop3A_576 = arith.andi %parallel_loop3A_569, %parallel_loop3A_570 : vector<16xi1>
        %parallel_loop3A_577 = arith.andi %parallel_loop3A_576, %parallel_loop3A_571 : vector<16xi1>
        %parallel_loop3A_578 = arith.constant dense<true> : vector<16xi1>
        %parallel_loop3A_579 = arith.xori %parallel_loop3A_572, %parallel_loop3A_578 : vector<16xi1>
        %parallel_loop3A_580 = arith.andi %parallel_loop3A_577, %parallel_loop3A_579 : vector<16xi1>
        %parallel_loop3A_581 = arith.constant 5.000000e-01 : f32
        %parallel_loop3A_582 = vector.broadcast %parallel_loop3A_581 : f32 to vector<16xf32>
        %parallel_loop3A_583 = arith.cmpf ogt, %parallel_loop3A_555, %parallel_loop3A_582 : vector<16xf32>
        %parallel_loop3A_584 = arith.constant 5.000000e-01 : f32
        %parallel_loop3A_585 = vector.broadcast %parallel_loop3A_584 : f32 to vector<16xf32>
        %parallel_loop3A_586 = arith.cmpf ogt, %parallel_loop3A_563, %parallel_loop3A_585 : vector<16xf32>
        %parallel_loop3A_587 = arith.andi %parallel_loop3A_575, %lt3A_62 : vector<16xi1>
        %parallel_loop3A_588 = arith.cmpf olt, %gather3A, %parallel_loop3A_539 : vector<16xf32>
        %parallel_loop3A_589 = arith.andi %parallel_loop3A_580, %or3A : vector<16xi1>
        %parallel_loop3A_590 = arith.constant dense<true> : vector<16xi1>
        %parallel_loop3A_591 = arith.xori %parallel_loop3A_587, %parallel_loop3A_590 : vector<16xi1>
        %parallel_loop3A_592 = arith.constant dense<true> : vector<16xi1>
        %parallel_loop3A_593 = arith.xori %parallel_loop3A_580, %parallel_loop3A_592 : vector<16xi1>
        %parallel_loop3A_594 = arith.andi %parallel_loop3A_591, %parallel_loop3A_593 : vector<16xi1>
        %parallel_loop3A_595 = arith.andi %parallel_loop3A_594, %parallel_loop3A_583 : vector<16xi1>
        %parallel_loop3A_596 = arith.ori %lt3A_62, %parallel_loop3A_588 : vector<16xi1>
        %parallel_loop3A_597 = arith.andi %parallel_loop3A_595, %parallel_loop3A_596 : vector<16xi1>
        %parallel_loop3A_598 = arith.constant dense<true> : vector<16xi1>
        %parallel_loop3A_599 = arith.xori %parallel_loop3A_583, %parallel_loop3A_598 : vector<16xi1>
        %parallel_loop3A_600 = arith.andi %parallel_loop3A_594, %parallel_loop3A_599 : vector<16xi1>
        %parallel_loop3A_601 = arith.andi %parallel_loop3A_600, %parallel_loop3A_586 : vector<16xi1>
        %parallel_loop3A_602 = arith.andi %parallel_loop3A_601, %or3A_79 : vector<16xi1>
        %parallel_loop3A_603 = arith.constant dense<true> : vector<16xi1>
        %parallel_loop3A_604 = arith.xori %parallel_loop3A_586, %parallel_loop3A_603 : vector<16xi1>
        %parallel_loop3A_605 = arith.andi %parallel_loop3A_600, %parallel_loop3A_604 : vector<16xi1>
        %parallel_loop3A_606 = arith.andi %parallel_loop3A_605, %parallel_loop3A_575 : vector<16xi1>
        %parallel_loop3A_607 = arith.constant 5.000000e-01 : f32
        %parallel_loop3A_608 = vector.broadcast %parallel_loop3A_607 : f32 to vector<16xf32>
        %parallel_loop3A_609 = arith.mulf %parallel_loop3A_531, %parallel_loop3A_608 : vector<16xf32>
        %parallel_loop3A_610 = arith.cmpf olt, %gather3A_54, %parallel_loop3A_609 : vector<16xf32>
        %parallel_loop3A_611 = arith.andi %parallel_loop3A_606, %parallel_loop3A_610 : vector<16xi1>
        %parallel_loop3A_612 = arith.constant 0.000000e+00 : f32
        %parallel_loop3A_613 = vector.broadcast %parallel_loop3A_612 : f32 to vector<16xf32>
        %parallel_loop3A_614 = arith.cmpf ogt, %parallel_loop3A_547, %parallel_loop3A_613 : vector<16xf32>
        %parallel_loop3A_615 = arith.cmpf ogt, %gather3A, %parallel_loop3A_547 : vector<16xf32>
        %parallel_loop3A_616 = arith.andi %parallel_loop3A_614, %parallel_loop3A_615 : vector<16xi1>
        %parallel_loop3A_617 = arith.ori %parallel_loop3A_616, %parallel_loop3A_588 : vector<16xi1>
        %parallel_loop3A_618 = arith.ori %parallel_loop3A_587, %parallel_loop3A_589 : vector<16xi1>
        %parallel_loop3A_619 = arith.ori %parallel_loop3A_618, %parallel_loop3A_597 : vector<16xi1>
        %parallel_loop3A_620 = arith.ori %parallel_loop3A_619, %parallel_loop3A_602 : vector<16xi1>
        %parallel_loop3A_621 = arith.ori %parallel_loop3A_620, %parallel_loop3A_611 : vector<16xi1>
        %parallel_loop3A_622 = arith.ori %parallel_loop3A_621, %parallel_loop3A_617 : vector<16xi1>
        %parallel_loop3A_623 = arith.select %parallel_loop3A_622, %broadcast_in_dim3A_81, %broadcast_in_dim3A_83 : vector<16xi1>, vector<16xf32>
        %parallel_loop3A_624 = arith.constant 2048 : i32
        %parallel_loop3A_625 = arith.muli %select_n3A_404, %parallel_loop3A_624 : i32
        %parallel_loop3A_626 = arith.addi %parallel_loop3A_625, %parallel_loop3A_478 : i32
        %parallel_loop3A_627 = arith.index_cast %parallel_loop3A_626 : i32 to index
        %parallel_loop3A_628 = tpu.vector_load %arg8[%parallel_loop3A_627] {strides = array<i32>} : memref<8192xf32, #tpu.memory_space<vmem>>, vector<16xf32>,
        tpu.vector_store %arg8[%parallel_loop3A_627], %parallel_loop3A_623 {strides = array<i32>} : memref<8192xf32, #tpu.memory_space<vmem>>, vector<16xf32>,
      } {sc.loop_unroll_factor = 4 : i64, sc.parallel_access}
      %mul3A_461 = arith.constant 2048 : i32
      %mul3A_462 = arith.muli %select_n3A_404, %mul3A_461 : i32
      %add3A_463 = arith.addi %select_n3A, %while3A_388 : i32
      %mul3A_464 = arith.constant 16 : i32
      %mul3A_465 = arith.muli %add3A_463, %mul3A_464 : i32
      %min3A_466 = arith.constant 24984 : i32
      %min3A_467 = arith.minsi %mul3A_465, %min3A_466 : i32
      %mul3A_468 = arith.constant 128 : i32
      %mul3A_469 = arith.muli %min3A_467, %mul3A_468 : i32
      %dma_start3A_470 = tpu.memref_slice %arg8[%mul3A_462] : memref<8192xf32, #tpu.memory_space<vmem>> -> memref<2048xf32, #tpu.memory_space<vmem>>
      %dma_start3A_471 = tpu.memref_slice %arg4[%mul3A_469] : memref<3200000xf32, #tpu.memory_space<hbm>> -> memref<2048xf32, #tpu.memory_space<hbm>>
      %dma_start3A_472 = tpu.memref_slice %arg13[%select_n3A_404] : memref<4x!tpu.dma_semaphore, #tpu.memory_space<semaphore_mem>> -> memref<1x!tpu.dma_semaphore, #tpu.memory_space<semaphore_mem>>
      %dma_start3A_473 = tpu.memref_squeeze %dma_start3A_472 : memref<1x!tpu.dma_semaphore, #tpu.memory_space<semaphore_mem>> -> memref<!tpu.dma_semaphore, #tpu.memory_space<semaphore_mem>>
      %dma_start3A_474 = tpu.memref_slice %arg4[%mul3A_469] : memref<3200000xf32, #tpu.memory_space<hbm>> -> memref<2048xf32, #tpu.memory_space<hbm>>
      %dma_start3A_475 = tpu.memref_slice %arg8[%mul3A_462] : memref<8192xf32, #tpu.memory_space<vmem>> -> memref<2048xf32, #tpu.memory_space<vmem>>
      tpu.enqueue_dma source(%dma_start3A_475 : memref<2048xf32, #tpu.memory_space<vmem>>) target(%dma_start3A_474 : memref<2048xf32, #tpu.memory_space<hbm>>) target_semaphore(%dma_start3A_473 : memref<!tpu.dma_semaphore, #tpu.memory_space<semaphore_mem>>)
    }
    %sub3A_250 = arith.constant 4 : i32
    %sub3A_251 = arith.subi %sub3A_47, %sub3A_250 : i32
    %add3A_252 = arith.constant 0 : i32
    %add3A_253 = arith.addi %sub3A_251, %add3A_252 : i32
    %jit3A_254 = arith.constant 4 : i32
    %eq3A = arith.constant 0 : i32
    %eq3A_255 = arith.cmpi eq, %jit3A_254, %eq3A : i32
    %jit3A_256 = arith.constant 1 : i32
    %select_n3A_257 = arith.select %eq3A_255, %jit3A_256, %jit3A_254 : i32
    %rem3A_258 = arith.remsi %add3A_253, %select_n3A_257 : i32
    %ne3A_259 = arith.constant 0 : i32
    %ne3A_260 = arith.cmpi ne, %rem3A_258, %ne3A_259 : i32
    %lt3A_261 = arith.constant 0 : i32
    %lt3A_262 = arith.cmpi slt, %rem3A_258, %lt3A_261 : i32
    %lt3A_263 = arith.constant 0 : i32
    %lt3A_264 = arith.cmpi slt, %select_n3A_257, %lt3A_263 : i32
    %ne3A_265 = arith.xori %lt3A_262, %lt3A_264 : i1
    %and3A_266 = arith.andi %ne3A_265, %ne3A_260 : i1
    %add3A_267 = arith.addi %rem3A_258, %select_n3A_257 : i32
    %select_n3A_268 = arith.select %and3A_266, %add3A_267, %rem3A_258 : i32
    %mul3A_269 = arith.constant 2048 : i32
    %mul3A_270 = arith.muli %select_n3A_268, %mul3A_269 : i32
    %add3A_271 = arith.addi %select_n3A, %add3A_253 : i32
    %mul3A_272 = arith.constant 16 : i32
    %mul3A_273 = arith.muli %add3A_271, %mul3A_272 : i32
    %min3A_274 = arith.constant 24984 : i32
    %min3A_275 = arith.minsi %mul3A_273, %min3A_274 : i32
    %mul3A_276 = arith.constant 128 : i32
    %mul3A_277 = arith.muli %min3A_275, %mul3A_276 : i32
    %dma_wait3A = tpu.memref_slice %arg8[%mul3A_270] : memref<8192xf32, #tpu.memory_space<vmem>> -> memref<2048xf32, #tpu.memory_space<vmem>>
    %dma_wait3A_278 = tpu.memref_slice %arg4[%mul3A_277] : memref<3200000xf32, #tpu.memory_space<hbm>> -> memref<2048xf32, #tpu.memory_space<hbm>>
    %dma_wait3A_279 = tpu.memref_slice %arg13[%select_n3A_268] : memref<4x!tpu.dma_semaphore, #tpu.memory_space<semaphore_mem>> -> memref<1x!tpu.dma_semaphore, #tpu.memory_space<semaphore_mem>>
    %dma_wait3A_280 = tpu.memref_squeeze %dma_wait3A_279 : memref<1x!tpu.dma_semaphore, #tpu.memory_space<semaphore_mem>> -> memref<!tpu.dma_semaphore, #tpu.memory_space<semaphore_mem>>
    %dma_wait3A_281 = tpu.memref_slice %arg4[%mul3A_277] : memref<3200000xf32, #tpu.memory_space<hbm>> -> memref<2048xf32, #tpu.memory_space<hbm>>
    %dma_wait3A_282 = tpu.memref_slice %arg8[%mul3A_270] : memref<8192xf32, #tpu.memory_space<vmem>> -> memref<2048xf32, #tpu.memory_space<vmem>>
    tpu.wait_dma2 semaphore(%dma_wait3A_280 : memref<!tpu.dma_semaphore, #tpu.memory_space<semaphore_mem>>) src(%dma_wait3A_282 : memref<2048xf32, #tpu.memory_space<vmem>>) dst(%dma_wait3A_281 : memref<2048xf32, #tpu.memory_space<hbm>>)
    %sub3A_283 = arith.constant 4 : i32
    %sub3A_284 = arith.subi %sub3A_47, %sub3A_283 : i32
    %add3A_285 = arith.constant 1 : i32
    %add3A_286 = arith.addi %sub3A_284, %add3A_285 : i32
    %jit3A_287 = arith.constant 4 : i32
    %eq3A_288 = arith.constant 0 : i32
    %eq3A_289 = arith.cmpi eq, %jit3A_287, %eq3A_288 : i32
    %jit3A_290 = arith.constant 1 : i32
    %select_n3A_291 = arith.select %eq3A_289, %jit3A_290, %jit3A_287 : i32
    %rem3A_292 = arith.remsi %add3A_286, %select_n3A_291 : i32
    %ne3A_293 = arith.constant 0 : i32
    %ne3A_294 = arith.cmpi ne, %rem3A_292, %ne3A_293 : i32
    %lt3A_295 = arith.constant 0 : i32
    %lt3A_296 = arith.cmpi slt, %rem3A_292, %lt3A_295 : i32
    %lt3A_297 = arith.constant 0 : i32
    %lt3A_298 = arith.cmpi slt, %select_n3A_291, %lt3A_297 : i32
    %ne3A_299 = arith.xori %lt3A_296, %lt3A_298 : i1
    %and3A_300 = arith.andi %ne3A_299, %ne3A_294 : i1
    %add3A_301 = arith.addi %rem3A_292, %select_n3A_291 : i32
    %select_n3A_302 = arith.select %and3A_300, %add3A_301, %rem3A_292 : i32
    %mul3A_303 = arith.constant 2048 : i32
    %mul3A_304 = arith.muli %select_n3A_302, %mul3A_303 : i32
    %add3A_305 = arith.addi %select_n3A, %add3A_286 : i32
    %mul3A_306 = arith.constant 16 : i32
    %mul3A_307 = arith.muli %add3A_305, %mul3A_306 : i32
    %min3A_308 = arith.constant 24984 : i32
    %min3A_309 = arith.minsi %mul3A_307, %min3A_308 : i32
    %mul3A_310 = arith.constant 128 : i32
    %mul3A_311 = arith.muli %min3A_309, %mul3A_310 : i32
    %dma_wait3A_312 = tpu.memref_slice %arg8[%mul3A_304] : memref<8192xf32, #tpu.memory_space<vmem>> -> memref<2048xf32, #tpu.memory_space<vmem>>
    %dma_wait3A_313 = tpu.memref_slice %arg4[%mul3A_311] : memref<3200000xf32, #tpu.memory_space<hbm>> -> memref<2048xf32, #tpu.memory_space<hbm>>
    %dma_wait3A_314 = tpu.memref_slice %arg13[%select_n3A_302] : memref<4x!tpu.dma_semaphore, #tpu.memory_space<semaphore_mem>> -> memref<1x!tpu.dma_semaphore, #tpu.memory_space<semaphore_mem>>
    %dma_wait3A_315 = tpu.memref_squeeze %dma_wait3A_314 : memref<1x!tpu.dma_semaphore, #tpu.memory_space<semaphore_mem>> -> memref<!tpu.dma_semaphore, #tpu.memory_space<semaphore_mem>>
    %dma_wait3A_316 = tpu.memref_slice %arg4[%mul3A_311] : memref<3200000xf32, #tpu.memory_space<hbm>> -> memref<2048xf32, #tpu.memory_space<hbm>>
    %dma_wait3A_317 = tpu.memref_slice %arg8[%mul3A_304] : memref<8192xf32, #tpu.memory_space<vmem>> -> memref<2048xf32, #tpu.memory_space<vmem>>
    tpu.wait_dma2 semaphore(%dma_wait3A_315 : memref<!tpu.dma_semaphore, #tpu.memory_space<semaphore_mem>>) src(%dma_wait3A_317 : memref<2048xf32, #tpu.memory_space<vmem>>) dst(%dma_wait3A_316 : memref<2048xf32, #tpu.memory_space<hbm>>)
    %sub3A_318 = arith.constant 4 : i32
    %sub3A_319 = arith.subi %sub3A_47, %sub3A_318 : i32
    %add3A_320 = arith.constant 2 : i32
    %add3A_321 = arith.addi %sub3A_319, %add3A_320 : i32
    %jit3A_322 = arith.constant 4 : i32
    %eq3A_323 = arith.constant 0 : i32
    %eq3A_324 = arith.cmpi eq, %jit3A_322, %eq3A_323 : i32
    %jit3A_325 = arith.constant 1 : i32
    %select_n3A_326 = arith.select %eq3A_324, %jit3A_325, %jit3A_322 : i32
    %rem3A_327 = arith.remsi %add3A_321, %select_n3A_326 : i32
    %ne3A_328 = arith.constant 0 : i32
    %ne3A_329 = arith.cmpi ne, %rem3A_327, %ne3A_328 : i32
    %lt3A_330 = arith.constant 0 : i32
    %lt3A_331 = arith.cmpi slt, %rem3A_327, %lt3A_330 : i32
    %lt3A_332 = arith.constant 0 : i32
    %lt3A_333 = arith.cmpi slt, %select_n3A_326, %lt3A_332 : i32
    %ne3A_334 = arith.xori %lt3A_331, %lt3A_333 : i1
    %and3A_335 = arith.andi %ne3A_334, %ne3A_329 : i1
    %add3A_336 = arith.addi %rem3A_327, %select_n3A_326 : i32
    %select_n3A_337 = arith.select %and3A_335, %add3A_336, %rem3A_327 : i32
    %mul3A_338 = arith.constant 2048 : i32
    %mul3A_339 = arith.muli %select_n3A_337, %mul3A_338 : i32
    %add3A_340 = arith.addi %select_n3A, %add3A_321 : i32
    %mul3A_341 = arith.constant 16 : i32
    %mul3A_342 = arith.muli %add3A_340, %mul3A_341 : i32
    %min3A_343 = arith.constant 24984 : i32
    %min3A_344 = arith.minsi %mul3A_342, %min3A_343 : i32
    %mul3A_345 = arith.constant 128 : i32
    %mul3A_346 = arith.muli %min3A_344, %mul3A_345 : i32
    %dma_wait3A_347 = tpu.memref_slice %arg8[%mul3A_339] : memref<8192xf32, #tpu.memory_space<vmem>> -> memref<2048xf32, #tpu.memory_space<vmem>>
    %dma_wait3A_348 = tpu.memref_slice %arg4[%mul3A_346] : memref<3200000xf32, #tpu.memory_space<hbm>> -> memref<2048xf32, #tpu.memory_space<hbm>>
    %dma_wait3A_349 = tpu.memref_slice %arg13[%select_n3A_337] : memref<4x!tpu.dma_semaphore, #tpu.memory_space<semaphore_mem>> -> memref<1x!tpu.dma_semaphore, #tpu.memory_space<semaphore_mem>>
    %dma_wait3A_350 = tpu.memref_squeeze %dma_wait3A_349 : memref<1x!tpu.dma_semaphore, #tpu.memory_space<semaphore_mem>> -> memref<!tpu.dma_semaphore, #tpu.memory_space<semaphore_mem>>
    %dma_wait3A_351 = tpu.memref_slice %arg4[%mul3A_346] : memref<3200000xf32, #tpu.memory_space<hbm>> -> memref<2048xf32, #tpu.memory_space<hbm>>
    %dma_wait3A_352 = tpu.memref_slice %arg8[%mul3A_339] : memref<8192xf32, #tpu.memory_space<vmem>> -> memref<2048xf32, #tpu.memory_space<vmem>>
    tpu.wait_dma2 semaphore(%dma_wait3A_350 : memref<!tpu.dma_semaphore, #tpu.memory_space<semaphore_mem>>) src(%dma_wait3A_352 : memref<2048xf32, #tpu.memory_space<vmem>>) dst(%dma_wait3A_351 : memref<2048xf32, #tpu.memory_space<hbm>>)
    %sub3A_353 = arith.constant 4 : i32
    %sub3A_354 = arith.subi %sub3A_47, %sub3A_353 : i32
    %add3A_355 = arith.constant 3 : i32
    %add3A_356 = arith.addi %sub3A_354, %add3A_355 : i32
    %jit3A_357 = arith.constant 4 : i32
    %eq3A_358 = arith.constant 0 : i32
    %eq3A_359 = arith.cmpi eq, %jit3A_357, %eq3A_358 : i32
    %jit3A_360 = arith.constant 1 : i32
    %select_n3A_361 = arith.select %eq3A_359, %jit3A_360, %jit3A_357 : i32
    %rem3A_362 = arith.remsi %add3A_356, %select_n3A_361 : i32
    %ne3A_363 = arith.constant 0 : i32
    %ne3A_364 = arith.cmpi ne, %rem3A_362, %ne3A_363 : i32
    %lt3A_365 = arith.constant 0 : i32
    %lt3A_366 = arith.cmpi slt, %rem3A_362, %lt3A_365 : i32
    %lt3A_367 = arith.constant 0 : i32
    %lt3A_368 = arith.cmpi slt, %select_n3A_361, %lt3A_367 : i32
    %ne3A_369 = arith.xori %lt3A_366, %lt3A_368 : i1
    %and3A_370 = arith.andi %ne3A_369, %ne3A_364 : i1
    %add3A_371 = arith.addi %rem3A_362, %select_n3A_361 : i32
    %select_n3A_372 = arith.select %and3A_370, %add3A_371, %rem3A_362 : i32
    %mul3A_373 = arith.constant 2048 : i32
    %mul3A_374 = arith.muli %select_n3A_372, %mul3A_373 : i32
    %add3A_375 = arith.addi %select_n3A, %add3A_356 : i32
    %mul3A_376 = arith.constant 16 : i32
    %mul3A_377 = arith.muli %add3A_375, %mul3A_376 : i32
    %min3A_378 = arith.constant 24984 : i32
    %min3A_379 = arith.minsi %mul3A_377, %min3A_378 : i32
    %mul3A_380 = arith.constant 128 : i32
    %mul3A_381 = arith.muli %min3A_379, %mul3A_380 : i32
    %dma_wait3A_382 = tpu.memref_slice %arg8[%mul3A_374] : memref<8192xf32, #tpu.memory_space<vmem>> -> memref<2048xf32, #tpu.memory_space<vmem>>
    %dma_wait3A_383 = tpu.memref_slice %arg4[%mul3A_381] : memref<3200000xf32, #tpu.memory_space<hbm>> -> memref<2048xf32, #tpu.memory_space<hbm>>
    %dma_wait3A_384 = tpu.memref_slice %arg13[%select_n3A_372] : memref<4x!tpu.dma_semaphore, #tpu.memory_space<semaphore_mem>> -> memref<1x!tpu.dma_semaphore, #tpu.memory_space<semaphore_mem>>
    %dma_wait3A_385 = tpu.memref_squeeze %dma_wait3A_384 : memref<1x!tpu.dma_semaphore, #tpu.memory_space<semaphore_mem>> -> memref<!tpu.dma_semaphore, #tpu.memory_space<semaphore_mem>>
    %dma_wait3A_386 = tpu.memref_slice %arg4[%mul3A_381] : memref<3200000xf32, #tpu.memory_space<hbm>> -> memref<2048xf32, #tpu.memory_space<hbm>>
    %dma_wait3A_387 = tpu.memref_slice %arg8[%mul3A_374] : memref<8192xf32, #tpu.memory_space<vmem>> -> memref<2048xf32, #tpu.memory_space<vmem>>
    tpu.wait_dma2 semaphore(%dma_wait3A_385 : memref<!tpu.dma_semaphore, #tpu.memory_space<semaphore_mem>>) src(%dma_wait3A_387 : memref<2048xf32, #tpu.memory_space<vmem>>) dst(%dma_wait3A_386 : memref<2048xf32, #tpu.memory_space<hbm>>)
    return
  }
}

</mosaic_0001>

<sc_bundles>
// kernel: kernel.3.cloned.1.call-start
scs
__scs_entry_jumppad:
0x0: {  	(pc) =	sbr.rel $0x88, $3  }
0x1: {  	(tag) =	ssettag $0x0;
	lr =	simm.s32 $0x1  }
0x2: {  	[smem:$0x3F9F] =	sst lr;
	_ =	strace $0xD0000000  }
0x3: {  	_ = 	snop  }
0x4: {  	_ = 	snop  }
0x5: {  	_ = 	snop  }
0x6: {  	_ = 	snop  }
0x7: {  	_ = 	snop  }
__scs_overlays_trampoline_lowered:
0x8: {  	[smem:$0x3FAE] =	sst s0  }
0x9: {  	[smem:$0x3FAF] =	sst s1  }
0xa: {  	[smem:$0x3FB0] =	sst s2  }
0xb: {  	[smem:$0x3FB1] =	sst s3  }
0xc: {  	[smem:$0x3FB2] =	sst s4  }
0xd: {  	[smem:$0x3FB3] =	sst s5  }
0xe: {  	[smem:$0x3FB4] =	sst s6  }
0xf: {  	[smem:$0x3FB5] =	sst s7  }
0x10: {  	[smem:$0x3FB6] =	sst s8  }
0x11: {  	[smem:$0x3FB7] =	sst s9;
	s0 =	simm.s32 @!p0 $0x0  }
0x12: {  	s1 =	sld [smem:$0x3F9D];
	s0 =	simm.s32 @p0 $0x1  }
0x13: {  	[smem:$0x3FB8] =	sst s0;
	s0 =	simm.s32 @!p1 $0x0  }
0x14: {  	s2 =	sld [smem:$0x3F9C];
	s0 =	simm.s32 @p1 $0x1  }
0x15: {  	[smem:$0x3FB9] =	sst s0;
	s0 =	simm.s32 @!p2 $0x0  }
0x16: {  	s3 =	sld [smem:$0x3FDB];
	s0 =	simm.s32 @p2 $0x1  }
0x17: {  	s4 =	simm.s32 $0x1BF5;
	[smem:$0x3FBB] =	sst s0  }
0x18: {  	s0 =	sld [smem:$0x3F9E];
	_ =	swait.ge [sflag:s4], $0x0  }
0x19: {  	s7 =	sld [smem:$0x3F9F]  }
0x1a: {  	s8 =	sadd.s32 $0xFFFFE003, lr  }
0x1b: {  	s9 =	sadd.s32 $0xFFFFFEF7, lr;
	s5 =	simm.s32 $0xFFFFFFFF;
	p2 =	slt.u32 s8, $0xFFFFF086  }
0x1c: {  	p1 =	slt.u32 s9, $0xF7A;
	s5 =	simm.s32 @!p2 $0x0  }
0x1d: {  	s5 =	simm.s32 @p1 $0x1;
	p0 =	seq.s32 s7, s2  }
0x1e: {  	s7 =	smul.u32 @!p0 $0xF7A, s2;
	p2 =	seq.s32 @!p0 s5, $0x0  }
0x1f: {  	s9 =	smul.u32 $0xF7A, s1;
	s8 =	simm.s32 @!p0 $0x1BF5;
	p2 =	por !p2, p0  }
0x20: {  	[sflag:s8] =	ssyncset.s32 @!p0 $0xFFFFF086;
	s6 =	sadd.s32 @!p0 s3, s7;
	s7 =	simm.s32 @!p0 $0x108  }
0x21: {  	s3 =	sadd.s32 s3, s9;
	s6 =	sadd.s32 @!p0 $0x88, s6;
	s7 =	simm.s32 @p2 $0x1082  }
0x22: {  	[simem:s7], [sflag:s8] =	dma.local @!p0 [hbm:s6], $0xF7A  }
0x23: {  	s9 =	sor.u32 $0xD0000000, s2;
	s6 =	simm.s32 $0x108;
	_ =	swait.ge @!p0 [sflag:s8], $0x0  }
0x24: {  	s3 =	sadd.s32 $0x88, s3;
	s6 =	simm.s32 @!p1 $0x1082;
	[sflag:s4] =	ssyncset.s32 $0xFFFFF086  }
0x25: {  	[simem:s6], [sflag:s4] =	dma.local [hbm:s3], $0xF7A  }
0x26: {  	[smem:$0x3F9F] =	sst s1;
	(tag) =	ssettag s2;
	_ =	strace s9  }
0x27: {  	s1 =	sld [smem:$0x3FAF]  }
0x28: {  	s2 =	sld [smem:$0x3FB0]  }
0x29: {  	s4 =	sld [smem:$0x3FB2]  }
0x2a: {  	p0 =	seq.s32 s5, $0x0;
	s5 =	sld [smem:$0x3FB3]  }
0x2b: {  	s6 =	sld [smem:$0x3FB4]  }
0x2c: {  	s7 =	sld [smem:$0x3FB5]  }
0x2d: {  	s3 =	simm.s32 $0x108;
	s8 =	sld [smem:$0x3FB6]  }
0x2e: {  	s3 =	simm.s32 @!p0 $0x1082;
	s9 =	sld [smem:$0x3FB7]  }
0x2f: {  	lr =	sadd.s32 s0, s3;
	s0 =	sld [smem:$0x3FAE]  }
0x30: {  	s3 =	sld [smem:$0x3FB1]  }
0x31: {  	[smem:$0x3FBA] =	sst s10  }
0x32: {  	s10 =	sld [smem:$0x3FB8];
	_ =	sdelay $0x3  }
0x33: {  	p0 =	seq.s32 s10, $0x1;
	s10 =	sld [smem:$0x3FBA];
	_ =	sdelay $0x3  }
0x34: {  	[smem:$0x3FBA] =	sst s10  }
0x35: {  	s10 =	sld [smem:$0x3FB9];
	_ =	sdelay $0x3  }
0x36: {  	p1 =	seq.s32 s10, $0x1;
	s10 =	sld [smem:$0x3FBA];
	_ =	sdelay $0x3  }
0x37: {  	[smem:$0x3FBA] =	sst s10  }
0x38: {  	s10 =	sld [smem:$0x3FBB]  }
0x39: {  	_ = 	snop;
	(pc) =	sbr.ind lr, $3  }
0x3a: {  	_ = 	snop  }
0x3b: {  	_ = 	snop  }
0x3c: {  	p2 =	seq.s32 s10, $0x1;
	s10 =	sld [smem:$0x3FBA]  }
0x3d: {  	_ =	shalt  }
0x3e: {  	_ =	shalt  }
0x3f: {  	_ =	shalt  }
0x40: {  	_ =	shalt  }
0x41: {  	_ =	shalt  }
0x42: {  	_ =	shalt  }
0x43: {  	_ =	shalt  }
0x44: {  	_ =	shalt  }
0x45: {  	_ =	shalt  }
0x46: {  	_ =	shalt  }
0x47: {  	_ =	shalt  }
0x48: {  	_ =	shalt  }
0x49: {  	_ =	shalt  }
0x4a: {  	_ =	shalt  }
0x4b: {  	_ =	shalt  }
0x4c: {  	_ =	shalt  }
0x4d: {  	_ =	shalt  }
0x4e: {  	_ =	shalt  }
0x4f: {  	_ =	shalt  }
0x50: {  	_ =	shalt  }
0x51: {  	_ =	shalt  }
0x52: {  	_ =	shalt  }
0x53: {  	_ =	shalt  }
0x54: {  	_ =	shalt  }
0x55: {  	_ =	shalt  }
0x56: {  	_ =	shalt  }
0x57: {  	_ =	shalt  }
0x58: {  	_ =	shalt  }
0x59: {  	_ =	shalt  }
0x5a: {  	_ =	shalt  }
0x5b: {  	_ =	shalt  }
0x5c: {  	_ =	shalt  }
0x5d: {  	_ =	shalt  }
0x5e: {  	_ =	shalt  }
0x5f: {  	_ =	shalt  }
0x60: {  	_ =	shalt  }
0x61: {  	_ =	shalt  }
0x62: {  	_ =	shalt  }
0x63: {  	_ =	shalt  }
0x64: {  	_ =	shalt  }
0x65: {  	_ =	shalt  }
0x66: {  	_ =	shalt  }
0x67: {  	_ =	shalt  }
0x68: {  	_ =	shalt  }
0x69: {  	_ =	shalt  }
0x6a: {  	_ =	shalt  }
0x6b: {  	_ =	shalt  }
0x6c: {  	_ =	shalt  }
0x6d: {  	_ =	shalt  }
0x6e: {  	_ =	shalt  }
0x6f: {  	_ =	shalt  }
0x70: {  	_ =	shalt  }
0x71: {  	_ =	shalt  }
0x72: {  	_ =	shalt  }
0x73: {  	_ =	shalt  }
0x74: {  	_ =	shalt  }
0x75: {  	_ =	shalt  }
0x76: {  	_ =	shalt  }
0x77: {  	_ =	shalt  }
0x78: {  	_ =	shalt  }
0x79: {  	_ =	shalt  }
0x7a: {  	_ =	shalt  }
0x7b: {  	_ =	shalt  }
0x7c: {  	_ =	shalt  }
0x7d: {  	_ =	shalt  }
0x7e: {  	_ =	shalt  }
0x7f: {  	_ =	shalt  }
0x80: {  	_ =	shalt  }
0x81: {  	_ =	shalt  }
0x82: {  	_ =	shalt  }
0x83: {  	_ =	shalt  }
0x84: {  	_ =	shalt  }
0x85: {  	_ =	shalt  }
0x86: {  	_ =	shalt  }
0x87: {  	_ =	shalt  }
.Lfunc_end0:
.L_simem_size_0:
called_computation_lowered:
.L_overlay_start_0:
0x88: {  	s2 =	sld [smem:$0x3FD9]  }
0x89: {  	s3 =	sld [smem:$0x3FFE];
	_ =	sdelay $0x1  }
0x8a: {  	s1 =	srdreg.scid  }
0x8b: {  	s0 =	sand.u32 $0x1, s1  }
0x8c: {  	s17 =	sshll.u32 s0, $0xA;
	s2 =	sadd.s32 s3, s2  }
0x8d: {  	s2 =	sadd.s32 s2, s17  }
0x8e: {  	[smem:$0x3FC6] =	sst s2  }
0x8f: {  	_ = 	snop  }
0x90: {  	s2 =	sld [smem:$0x3FC9]  }
0x91: {  	s18 =	sld [smem:$0x3FD0];
	(tm) =	ssettm $0x1  }
0x92: {  	s4 =	sld [smem:$0x3FFB];
	_ =	sdelay $0x3  }
0x93: {  	_ =	strace s4  }
0x94: {  	s4 =	sld [smem:$0x3FFC];
	_ =	sdelay $0x3  }
0x95: {  	_ =	strace s4  }
0x96: {  	s4 =	sld [smem:$0x3FFD];
	_ =	sdelay $0x3  }
0x97: {  	_ =	strace s4  }
0x98: {  	_ =	strace $0x8FFFFFFF  }
0x99: {  	s19 =	sld [smem:$0x3FDB];
	_ =	sdelay $0x1  }
0x9a: {  	s5 =	simm.s32 $_scs_section_size  }
0x9b: {  	s6 =	simm.s32 $_size__tile_overlayer_lowered;
	s7 =	simm.s32 $_tile_overlayer_lowered  }
0x9c: {  	s22 =	simm.s32 $0x1BFF;
	s21 =	sshll.u32 s7, $0x1;
	s4 =	sadd.s32 s5, s19  }
0x9d: {  	s8 =	simm.s32 $0x0;
	s20 =	sshll.u32 s6, $0x1;
	s6 =	sadd.s32 s21, s4  }
0x9e: {  	[timem:s8], [sflag:s22] =	dma.local [hbm:s6], s20  }
0x9f: {  	_ =	swait.ge [sflag:s22], s20  }
0xa0: {  	s5 =	ssub.s32 $0x0, s20;
	[sflag:s22] =	ssyncset.done $0x0  }
0xa1: {  	[sflag:s22] =	ssyncadd.s32 s5;
	_ =	sdelay $0x1  }
0xa2: {  	s23 =	simm.s32 $0x1B8B  }
0xa3: {  	_ =	swait.ge [sflag:s23], $0x1  }
0xa4: {  	[sflag:s23] =	ssyncset.done $0x0  }
0xa5: {  	s25 =	simm.s32 $0x1B8E;
	s24 =	sld [smem:$0x3FFE];
	[sflag:s23] =	ssyncadd.s32 $0xFFFFFFFF  }
0xa6: {  	s26 =	simm.s32 $execute0_lowered;
	[smem:$0x3FD2] =	sst s25  }
0xa7: {  	s6 =	sshll.u32 s26, $0x1;
	_ =	strace $0x80000046;
	[dreg:$0x1] =	wrdreg $0xFFFFFFFF  }
0xa8: {  	s28 =	simm.s32 $_size_execute0_lowered;
	s4 =	sadd.s32 s4, s6;
	[dreg:$0x0] =	wrdreg $0x0  }
0xa9: {  	s6 =	sshll.u32 s28, $0x1;
	[dreg:$0x2] =	wrdreg s4  }
0xaa: {  	[dreg:$0x3] =	wrdreg s6  }
0xab: {  	[dreg:$0x4] =	wrdreg $0xC0  }
0xac: {  	_ =	task [dreg:s8], $0x5FFFF  }
0xad: {  	[dreg:$0x1] =	wrdreg $0xFFFFFFFF  }
0xae: {  	[dreg:$0x0] =	wrdreg $0x60  }
0xaf: {  	[dreg:$0x2] =	wrdreg s2  }
0xb0: {  	[dreg:$0x3] =	wrdreg s24  }
0xb1: {  	[dreg:$0x4] =	wrdreg s18  }
0xb2: {  	[dreg:$0x5] =	wrdreg $0x9  }
0xb3: {  	_ =	task.clear_ibuf [dreg:s8], $0x6FFFF;
	_ =	strace $0x90000046  }
0xb4: {  	s29 =	simm.s32 $0x9;
	_ =	strace $0x80000048  }
0xb5: {  	_ =	swait.ge [sflag:s29], $0x1  }
0xb6: {  	[sflag:s29] =	ssyncadd.s32 $0xFFFFFFFF  }
0xb7: {  	_ =	strace $0x90000048  }
0xb8: {  	_ =	sfence  }
0xb9: {  	s30 =	sld [smem:$0x0];
	_ =	sdelay $0x2  }
0xba: {  	s31 =	sshll.u32 s1, $0xD;
	s1 =	sshrl.u32 s1, $0x2  }
0xbb: {  	s3 =	sand.u32 $0x4000, s31;
	s1 =	sadd.s32 s1, s30  }
0xbc: {  	s0 =	sor.u32 s3, s0;
	s1 =	sshll.u32 s1, $0x11  }
0xbd: {  	s0 =	sor.u32 s1, s0  }
0xbe: {  	s0 =	sadd.s32 $0x8F2B, s0  }
0xbf: {  	[sflag:s0] =	ssyncadd.remote.s32 $0x1  }
0xc0: {  	_ =	sfence.sel $0xFFFF  }
0xc1: {  	[dreg:$0x0] =	wrdreg $0xFFFFFFFF;
	(pc) =	sbr.abs _section_cstart, $3  }
0xc2: {  	[dreg:$0x1] =	wrdreg $0xFFFFFFFF  }
0xc3: {  	_ =	task.clear_ibuf [dreg:s8], $0x2FFFF;
	_ =	strace $0x9FFFFFFF  }
0xc4: {  	(tm) =	ssettm $0x7FFFFFFF  }
0xc5: {  	_ =	shalt  }
tec
execute0_lowered:
.L_overlay_start_1:
0x0: {  	(tag) =	ssettag $0x1  }
0x1: {  	s0 =	srdreg.scid;
	s3 =	stileid.u32  }
0x2: {  	s1 =	rddreg [dreg:$0x0];
	s0 =	sand.u32 $0x1, s0;
	s4 =	sshll.u32 s3, $0x1  }
0x3: {  	s2 =	rddreg [dreg:$0x1];
	s28 =	simm.s32 $0x0;
	s5 =	sor.u32 s0, s4  }
0x4: {  	s3 =	rddreg [dreg:$0x2];
	s4 =	simm.s32 $0x0;
	s6 =	smul.u32 $0x61B, s5  }
0x5: {  	s2 =	sadd.s32 $0x400, s2;
	s0 =	ssub.s32 $0x2, s0;
	[smem:$0x7FF] =	sst s4  }
0x6: {  	s16 =	sshrl.u32 s0, $0x1;
	_ =	strace $0x80000047;
	s5 =	sshrl.u32 s6, $0x5  }
0x7: {  	[dreg:$0x4] =	wrdreg s2;
	s0 =	ssub.s32 s0, s16;
	s7 =	sshll.u32 s5, $0xB  }
0x8: {  	s17 =	sadd.s32 $0x61B, s6;
	s0 =	smax.u32 s0, $0x1;
	s7 =	sadd.s32 s1, s7  }
0x9: {  	s2 =	sshrl.u32 s17, $0x5;
	[dreg:$0xf] =	wrdreg s0;
	s18 =	sadd.s32 $0x30D420, s7  }
0xa: {  	s10 =	ssub.s32 s2, s5;
	s19 =	sadd.s32 $0x30D440, s7;
	[dreg:$0x5] =	wrdreg s18  }
0xb: {  	s20 =	sadd.s32 $0x30DC20, s7;
	s21 =	sadd.s32 $0x30DC40, s7;
	[dreg:$0x6] =	wrdreg s19  }
0xc: {  	s13 =	sadd.s32 $0x800, s7;
	s22 =	sadd.s32 $0x30E420, s7;
	[dreg:$0x7] =	wrdreg s20  }
0xd: {  	s23 =	sadd.s32 $0x30E440, s7;
	s24 =	sand.u32 $0x3, s10;
	[dreg:$0x8] =	wrdreg s21  }
0xe: {  	s25 =	sadd.s32 $0x1, s10;
	s26 =	sadd.s32 $0xFFFFFFFF, s10;
	[dreg:$0x9] =	wrdreg s22  }
0xf: {  	s31 =	sadd.s32 $0x80, s7;
	[dreg:$0xa] =	wrdreg s23;
	s8 =	sadd.s32 $0xD, s24  }
.Ltmp0:
0x10: {  	s6 =	sand.u32 $0x3, s25;
	[dreg:$0x10] =	wrdreg s31;
	(pc) =	sbr.rel .LBB2_1-.Ltmp0, $4  }
0x11: {  	s2 =	sxor.u32 $0x2, s24;
	[dreg:$0xb] =	wrdreg s8;
	s6 =	sadd.s32 $0xD, s6  }
0x12: {  	s29 =	sand.u32 $0x3, s26;
	s2 =	sadd.s32 $0xD, s2;
	[dreg:$0xc] =	wrdreg s6  }
0x13: {  	v0 =	vimm.s32 $0x2;
	v1 =	vimm.s32 $0x5;
	v2 =	vimm.s32 $0x9;
	s14 =	sadd.s32 $0x1000, s7;
	s30 =	sadd.s32 $0xD, s29;
	[dreg:$0xd] =	wrdreg s2  }
0x14: {  	v3 =	vimm.s32 $0x10;
	v4 =	vimm.s32 $0x11;
	v5 =	vimm.f32 $1.000000000e+00;
	p0 =	slt.s32 s10, $0x1;
	s25 =	simm.s32 $0x400;
	[dreg:$0xe] =	wrdreg s30  }
.LBB2_8:
0x15: {  	s0 =	rddreg [dreg:$0xb]  }
0x16: {  	_ =	swait.ge [sflag:s0], $0x800  }
0x17: {  	[sflag:s0] =	ssyncset.done $0x0  }
0x18: {  	s29 =	rddreg [dreg:$0xc];
	[sflag:s0] =	ssyncadd.s32 $0xFFFFF800  }
0x19: {  	_ =	swait.ge [sflag:s29], $0x800  }
0x1a: {  	[sflag:s29] =	ssyncset.done $0x0  }
0x1b: {  	s30 =	rddreg [dreg:$0xd];
	[sflag:s29] =	ssyncadd.s32 $0xFFFFF800  }
0x1c: {  	_ =	swait.ge [sflag:s30], $0x800  }
0x1d: {  	[sflag:s30] =	ssyncset.done $0x0  }
0x1e: {  	s31 =	rddreg [dreg:$0xe];
	[sflag:s30] =	ssyncadd.s32 $0xFFFFF800  }
0x1f: {  	_ =	swait.ge [sflag:s31], $0x800  }
0x20: {  	s28 =	sadd.s32 $0x1, s28;
	s2 =	rddreg [dreg:$0xf]  }
0x21: {  	p1 =	sne.s32 s28, s2  }
.Ltmp1:
0x22: {  	_ = 	snop;
	(pc) =	sbr.rel @!p1 .LBB2_9-.Ltmp1, $3  }
0x23: {  	_ =	sdelay $0x1  }
0x24: {  	[sflag:s31] =	ssyncset.done $0x0  }
0x25: {  	[sflag:s31] =	ssyncadd.s32 $0xFFFFF800  }
.LBB2_1:
0x26: {  	s0 =	rddreg [dreg:$0x4];
	s2 =	simm.s32 $0x1C000;
	s12 =	simm.s32 $0x11  }
0x27: {  	[tilespmem:s2], [sflag:$0x11] =	stream.linear.gather [hbm4b:s0+s4], $0x80, $0x38;
	[tilespmem:$0x1C080] =	vst v63  }
0x28: {  	_ =	swait.ge [sflag:s12], $0x80  }
0x29: {  	[sflag:s12] =	ssyncset.done $0x0  }
0x2a: {  	[sflag:s12] =	ssyncadd.s32 $0xFFFFFF80  }
0x2b: {  	v6 =	vld.idx.msk [tilespmem:v0+s2+$0x0], $0xffff  }
0x2c: {  	v9 =	vld.idx.msk [tilespmem:v1+s2+$0x0], $0xffff  }
0x2d: {  	v7 =	vld.idx.msk [tilespmem:v2+s2+$0x0], $0xffff  }
0x2e: {  	v8 =	vld.idx.msk [tilespmem:v3+s2+$0x0], $0xffff  }
0x2f: {  	v10 =	vld.idx.msk [tilespmem:v4+s2+$0x0], $0xffff;
	s2 =	simm.s32 $0x4000  }
0x30: {  	[tilespmem:s4], [sflag:$0x1] =	stream.strided.gather [hbm4b:s7+s2], $0x0, s25, s2, $0x38;
	[tilespmem:$0x1C080] =	vst v63  }
0x31: {  	_ = 	snop  }
0x32: {  	[tilespmem:s4], [sflag:$0x1] =	stream.linear.gather [hbm4b:s7+s4], $0x300, $0x38;
	[tilespmem:$0x1C080] =	vst v63  }
0x33: {  	s15 =	rddreg [dreg:$0x10]  }
0x34: {  	[tilespmem:s25], [sflag:$0x1] =	stream.linear.gather [hbm4b:s15+s4], $0x300, $0x38;
	[tilespmem:$0x1C080] =	vst v63  }
0x35: {  	s16 =	sadd.s32 $0x100, s7;
	s6 =	simm.s32 $0x800  }
0x36: {  	[tilespmem:s6], [sflag:$0x1] =	stream.linear.gather [hbm4b:s16+s4], $0x300, $0x38;
	[tilespmem:$0x1C080] =	vst v63  }
0x37: {  	s17 =	sadd.s32 $0x180, s7;
	s18 =	simm.s32 $0xC00  }
0x38: {  	[tilespmem:s18], [sflag:$0x1] =	stream.linear.gather [hbm4b:s17+s4], $0x300, $0x38;
	[tilespmem:$0x1C080] =	vst v63  }
0x39: {  	s19 =	sadd.s32 $0x200, s7;
	s20 =	simm.s32 $0x1000  }
0x3a: {  	[tilespmem:s20], [sflag:$0x1] =	stream.linear.gather [hbm4b:s19+s4], $0x300, $0x38;
	[tilespmem:$0x1C080] =	vst v63  }
0x3b: {  	s21 =	sadd.s32 $0x280, s7;
	s22 =	simm.s32 $0x1400  }
0x3c: {  	[tilespmem:s22], [sflag:$0x1] =	stream.linear.gather [hbm4b:s21+s4], $0x300, $0x38;
	[tilespmem:$0x1C080] =	vst v63  }
0x3d: {  	s23 =	sadd.s32 $0x300, s7;
	s24 =	simm.s32 $0x1800  }
0x3e: {  	[tilespmem:s24], [sflag:$0x1] =	stream.linear.gather [hbm4b:s23+s4], $0x300, $0x38;
	[tilespmem:$0x1C080] =	vst v63  }
0x3f: {  	s26 =	sadd.s32 $0x380, s7;
	s29 =	simm.s32 $0x1C00  }
0x40: {  	[tilespmem:s29], [sflag:$0x1] =	stream.linear.gather [hbm4b:s26+s4], $0x300, $0x38;
	[tilespmem:$0x1C080] =	vst v63  }
0x41: {  	s30 =	sadd.s32 $0x400, s7;
	s31 =	simm.s32 $0x2000  }
0x42: {  	[tilespmem:s31], [sflag:$0x1] =	stream.linear.gather [hbm4b:s30+s4], $0x300, $0x38;
	[tilespmem:$0x1C080] =	vst v63  }
0x43: {  	s8 =	sadd.s32 $0x480, s7;
	s9 =	simm.s32 $0x2400  }
0x44: {  	[tilespmem:s9], [sflag:$0x1] =	stream.linear.gather [hbm4b:s8+s4], $0x300, $0x38;
	[tilespmem:$0x1C080] =	vst v63  }
0x45: {  	s11 =	sadd.s32 $0x500, s7;
	s12 =	simm.s32 $0x2800  }
0x46: {  	[tilespmem:s12], [sflag:$0x1] =	stream.linear.gather [hbm4b:s11+s4], $0x300, $0x38;
	[tilespmem:$0x1C080] =	vst v63  }
0x47: {  	s15 =	sadd.s32 $0x580, s7;
	s16 =	simm.s32 $0x2C00  }
0x48: {  	[tilespmem:s16], [sflag:$0x1] =	stream.linear.gather [hbm4b:s15+s4], $0x300, $0x38;
	[tilespmem:$0x1C080] =	vst v63  }
0x49: {  	s17 =	sadd.s32 $0x600, s7;
	s18 =	simm.s32 $0x3000  }
0x4a: {  	[tilespmem:s18], [sflag:$0x1] =	stream.linear.gather [hbm4b:s17+s4], $0x300, $0x38;
	[tilespmem:$0x1C080] =	vst v63  }
0x4b: {  	s19 =	sadd.s32 $0x680, s7;
	s20 =	simm.s32 $0x3400  }
0x4c: {  	[tilespmem:s20], [sflag:$0x1] =	stream.linear.gather [hbm4b:s19+s4], $0x300, $0x38;
	[tilespmem:$0x1C080] =	vst v63  }
0x4d: {  	s21 =	sadd.s32 $0x700, s7;
	s22 =	simm.s32 $0x3800  }
0x4e: {  	[tilespmem:s22], [sflag:$0x1] =	stream.linear.gather [hbm4b:s21+s4], $0x300, $0x38;
	[tilespmem:$0x1C080] =	vst v63  }
0x4f: {  	s23 =	sadd.s32 $0x780, s7;
	s24 =	simm.s32 $0x3C00  }
0x50: {  	[tilespmem:s24], [sflag:$0x1] =	stream.linear.gather [hbm4b:s23+s4], $0x300, $0x38;
	[tilespmem:$0x1C080] =	vst v63  }
0x51: {  	s6 =	simm.s32 $0x80;
	s26 =	rddreg [dreg:$0x5];
	s8 =	simm.s32 $0x10000  }
0x52: {  	[tilespmem:s8], [sflag:$0x5] =	stream.strided.gather [hbm4b:s26+s6], $0x800, s25, s6, $0x38;
	[tilespmem:$0x1C080] =	vst v63  }
0x53: {  	s29 =	rddreg [dreg:$0x6];
	s9 =	simm.s32 $0x12000;
	s8 =	simm.s32 $0x200  }
0x54: {  	[tilespmem:s9], [sflag:$0x9] =	stream.strided.gather [hbm4b:s29+s8], $0x2000, s25, s8, $0x38;
	[tilespmem:$0x1C080] =	vst v63  }
0x55: {  	_ = 	snop  }
0x56: {  	[tilespmem:s2], [sflag:$0x2] =	stream.strided.gather [hbm4b:s13+s2], $0x0, s25, s2, $0x38;
	[tilespmem:$0x1C080] =	vst v63  }
0x57: {  	_ = 	snop  }
0x58: {  	[tilespmem:s2], [sflag:$0x2] =	stream.linear.gather [hbm4b:s13+s4], $0x300, $0x38;
	[tilespmem:$0x1C080] =	vst v63  }
0x59: {  	s30 =	sadd.s32 $0x80, s13;
	s31 =	simm.s32 $0x4400  }
0x5a: {  	[tilespmem:s31], [sflag:$0x2] =	stream.linear.gather [hbm4b:s30+s4], $0x300, $0x38;
	[tilespmem:$0x1C080] =	vst v63  }
0x5b: {  	s11 =	sadd.s32 $0x100, s13;
	s12 =	simm.s32 $0x4800  }
0x5c: {  	[tilespmem:s12], [sflag:$0x2] =	stream.linear.gather [hbm4b:s11+s4], $0x300, $0x38;
	[tilespmem:$0x1C080] =	vst v63  }
0x5d: {  	s15 =	sadd.s32 $0x180, s13;
	s16 =	simm.s32 $0x4C00  }
0x5e: {  	[tilespmem:s16], [sflag:$0x2] =	stream.linear.gather [hbm4b:s15+s4], $0x300, $0x38;
	[tilespmem:$0x1C080] =	vst v63  }
0x5f: {  	s17 =	sadd.s32 $0x200, s13;
	s18 =	simm.s32 $0x5000  }
0x60: {  	[tilespmem:s18], [sflag:$0x2] =	stream.linear.gather [hbm4b:s17+s4], $0x300, $0x38;
	[tilespmem:$0x1C080] =	vst v63  }
0x61: {  	s19 =	sadd.s32 $0x280, s13;
	s20 =	simm.s32 $0x5400  }
0x62: {  	[tilespmem:s20], [sflag:$0x2] =	stream.linear.gather [hbm4b:s19+s4], $0x300, $0x38;
	[tilespmem:$0x1C080] =	vst v63  }
0x63: {  	s21 =	sadd.s32 $0x300, s13;
	s22 =	simm.s32 $0x5800  }
0x64: {  	[tilespmem:s22], [sflag:$0x2] =	stream.linear.gather [hbm4b:s21+s4], $0x300, $0x38;
	[tilespmem:$0x1C080] =	vst v63  }
0x65: {  	s23 =	sadd.s32 $0x380, s13;
	s24 =	simm.s32 $0x5C00  }
0x66: {  	[tilespmem:s24], [sflag:$0x2] =	stream.linear.gather [hbm4b:s23+s4], $0x300, $0x38;
	[tilespmem:$0x1C080] =	vst v63  }
0x67: {  	s26 =	sadd.s32 $0x400, s13;
	s29 =	simm.s32 $0x6000  }
0x68: {  	[tilespmem:s29], [sflag:$0x2] =	stream.linear.gather [hbm4b:s26+s4], $0x300, $0x38;
	[tilespmem:$0x1C080] =	vst v63  }
0x69: {  	s30 =	sadd.s32 $0x480, s13;
	s31 =	simm.s32 $0x6400  }
0x6a: {  	[tilespmem:s31], [sflag:$0x2] =	stream.linear.gather [hbm4b:s30+s4], $0x300, $0x38;
	[tilespmem:$0x1C080] =	vst v63  }
0x6b: {  	s11 =	sadd.s32 $0x500, s13;
	s12 =	simm.s32 $0x6800  }
0x6c: {  	[tilespmem:s12], [sflag:$0x2] =	stream.linear.gather [hbm4b:s11+s4], $0x300, $0x38;
	[tilespmem:$0x1C080] =	vst v63  }
0x6d: {  	s15 =	sadd.s32 $0x580, s13;
	s16 =	simm.s32 $0x6C00  }
0x6e: {  	[tilespmem:s16], [sflag:$0x2] =	stream.linear.gather [hbm4b:s15+s4], $0x300, $0x38;
	[tilespmem:$0x1C080] =	vst v63  }
0x6f: {  	s17 =	sadd.s32 $0x600, s13;
	s18 =	simm.s32 $0x7000  }
0x70: {  	[tilespmem:s18], [sflag:$0x2] =	stream.linear.gather [hbm4b:s17+s4], $0x300, $0x38;
	[tilespmem:$0x1C080] =	vst v63  }
0x71: {  	s19 =	sadd.s32 $0x680, s13;
	s20 =	simm.s32 $0x7400  }
0x72: {  	[tilespmem:s20], [sflag:$0x2] =	stream.linear.gather [hbm4b:s19+s4], $0x300, $0x38;
	[tilespmem:$0x1C080] =	vst v63  }
0x73: {  	s21 =	sadd.s32 $0x700, s13;
	s22 =	simm.s32 $0x7800  }
0x74: {  	[tilespmem:s22], [sflag:$0x2] =	stream.linear.gather [hbm4b:s21+s4], $0x300, $0x38;
	[tilespmem:$0x1C080] =	vst v63  }
0x75: {  	s23 =	sadd.s32 $0x780, s13;
	s24 =	simm.s32 $0x7C00  }
0x76: {  	[tilespmem:s24], [sflag:$0x2] =	stream.linear.gather [hbm4b:s23+s4], $0x300, $0x38;
	[tilespmem:$0x1C080] =	vst v63  }
0x77: {  	s26 =	rddreg [dreg:$0x7];
	s29 =	simm.s32 $0x10800  }
0x78: {  	[tilespmem:s29], [sflag:$0x6] =	stream.strided.gather [hbm4b:s26+s6], $0x800, s25, s6, $0x38;
	[tilespmem:$0x1C080] =	vst v63  }
0x79: {  	s30 =	rddreg [dreg:$0x8];
	s31 =	simm.s32 $0x14000  }
0x7a: {  	[tilespmem:s31], [sflag:$0xA] =	stream.strided.gather [hbm4b:s30+s8], $0x2000, s25, s8, $0x38;
	[tilespmem:$0x1C080] =	vst v63  }
0x7b: {  	s9 =	simm.s32 $0x8000  }
0x7c: {  	[tilespmem:s9], [sflag:$0x3] =	stream.strided.gather [hbm4b:s14+s2], $0x0, s25, s2, $0x38;
	[tilespmem:$0x1C080] =	vst v63  }
0x7d: {  	_ = 	snop  }
0x7e: {  	[tilespmem:s9], [sflag:$0x3] =	stream.linear.gather [hbm4b:s14+s4], $0x300, $0x38;
	[tilespmem:$0x1C080] =	vst v63  }
0x7f: {  	s11 =	sadd.s32 $0x80, s14;
	s12 =	simm.s32 $0x8400  }
0x80: {  	[tilespmem:s12], [sflag:$0x3] =	stream.linear.gather [hbm4b:s11+s4], $0x300, $0x38;
	[tilespmem:$0x1C080] =	vst v63  }
0x81: {  	s15 =	sadd.s32 $0x100, s14;
	s16 =	simm.s32 $0x8800  }
0x82: {  	[tilespmem:s16], [sflag:$0x3] =	stream.linear.gather [hbm4b:s15+s4], $0x300, $0x38;
	[tilespmem:$0x1C080] =	vst v63  }
0x83: {  	s17 =	sadd.s32 $0x180, s14;
	s18 =	simm.s32 $0x8C00  }
0x84: {  	[tilespmem:s18], [sflag:$0x3] =	stream.linear.gather [hbm4b:s17+s4], $0x300, $0x38;
	[tilespmem:$0x1C080] =	vst v63  }
0x85: {  	s19 =	sadd.s32 $0x200, s14;
	s20 =	simm.s32 $0x9000  }
0x86: {  	[tilespmem:s20], [sflag:$0x3] =	stream.linear.gather [hbm4b:s19+s4], $0x300, $0x38;
	[tilespmem:$0x1C080] =	vst v63  }
0x87: {  	s21 =	sadd.s32 $0x280, s14;
	s22 =	simm.s32 $0x9400  }
0x88: {  	[tilespmem:s22], [sflag:$0x3] =	stream.linear.gather [hbm4b:s21+s4], $0x300, $0x38;
	[tilespmem:$0x1C080] =	vst v63  }
0x89: {  	s23 =	sadd.s32 $0x300, s14;
	s24 =	simm.s32 $0x9800  }
0x8a: {  	[tilespmem:s24], [sflag:$0x3] =	stream.linear.gather [hbm4b:s23+s4], $0x300, $0x38;
	[tilespmem:$0x1C080] =	vst v63  }
0x8b: {  	s26 =	sadd.s32 $0x380, s14;
	s29 =	simm.s32 $0x9C00  }
0x8c: {  	[tilespmem:s29], [sflag:$0x3] =	stream.linear.gather [hbm4b:s26+s4], $0x300, $0x38;
	[tilespmem:$0x1C080] =	vst v63  }
0x8d: {  	s30 =	sadd.s32 $0x400, s14;
	s31 =	simm.s32 $0xA000  }
0x8e: {  	[tilespmem:s31], [sflag:$0x3] =	stream.linear.gather [hbm4b:s30+s4], $0x300, $0x38;
	[tilespmem:$0x1C080] =	vst v63  }
0x8f: {  	s2 =	sadd.s32 $0x480, s14;
	s9 =	simm.s32 $0xA400  }
0x90: {  	[tilespmem:s9], [sflag:$0x3] =	stream.linear.gather [hbm4b:s2+s4], $0x300, $0x38;
	[tilespmem:$0x1C080] =	vst v63  }
0x91: {  	s11 =	sadd.s32 $0x500, s14;
	s12 =	simm.s32 $0xA800  }
0x92: {  	[tilespmem:s12], [sflag:$0x3] =	stream.linear.gather [hbm4b:s11+s4], $0x300, $0x38;
	[tilespmem:$0x1C080] =	vst v63  }
0x93: {  	s15 =	sadd.s32 $0x580, s14;
	s16 =	simm.s32 $0xAC00  }
0x94: {  	[tilespmem:s16], [sflag:$0x3] =	stream.linear.gather [hbm4b:s15+s4], $0x300, $0x38;
	[tilespmem:$0x1C080] =	vst v63  }
0x95: {  	s17 =	sadd.s32 $0x600, s14;
	s18 =	simm.s32 $0xB000  }
0x96: {  	[tilespmem:s18], [sflag:$0x3] =	stream.linear.gather [hbm4b:s17+s4], $0x300, $0x38;
	[tilespmem:$0x1C080] =	vst v63  }
0x97: {  	s19 =	sadd.s32 $0x680, s14;
	s20 =	simm.s32 $0xB400  }
0x98: {  	[tilespmem:s20], [sflag:$0x3] =	stream.linear.gather [hbm4b:s19+s4], $0x300, $0x38;
	[tilespmem:$0x1C080] =	vst v63  }
0x99: {  	s21 =	sadd.s32 $0x700, s14;
	s22 =	simm.s32 $0xB800  }
0x9a: {  	[tilespmem:s22], [sflag:$0x3] =	stream.linear.gather [hbm4b:s21+s4], $0x300, $0x38;
	[tilespmem:$0x1C080] =	vst v63  }
0x9b: {  	s23 =	sadd.s32 $0x780, s14;
	s24 =	simm.s32 $0xBC00  }
0x9c: {  	[tilespmem:s24], [sflag:$0x3] =	stream.linear.gather [hbm4b:s23+s4], $0x300, $0x38;
	[tilespmem:$0x1C080] =	vst v63  }
.Ltmp2:
0x9d: {  	_ = 	snop;
	(pc) =	sbr.rel @p0 .LBB2_8-.Ltmp2, $4  }
0x9e: {  	s26 =	rddreg [dreg:$0x9];
	s29 =	simm.s32 $0x11000  }
0x9f: {  	[tilespmem:s29], [sflag:$0x7] =	stream.strided.gather [hbm4b:s26+s6], $0x800, s25, s6, $0x38;
	[tilespmem:$0x1C080] =	vst v63  }
0xa0: {  	s30 =	rddreg [dreg:$0xa];
	s31 =	simm.s32 $0x16000  }
0xa1: {  	[tilespmem:s31], [sflag:$0xB] =	stream.strided.gather [hbm4b:s30+s8], $0x2000, s25, s8, $0x38;
	[tilespmem:$0x1C080] =	vst v63  }
0xa2: {  	vm0 =	vlt.f32 v10, $5.000000000e-01;
	vm2 =	vlt.f32 v9, $5.000000000e-01;
	vm3 =	vlt.f32 v6, $1.000000010e-01  }
0xa3: {  	vm1 =	vlt.f32 v6, $1.000000000e+00;
	v9 =	vimm.s32 $0x0;
	vm12 =	vmor vm3, vm2  }
0xa4: {  	vm0 =	vmand vm1, vm0;
	v9 =	vsel vm12, $0xFFFFFFFF, v9  }
0xa5: {  	vm13 =	vmor vm2, vm0;
	[tilespmem:$0x1FFE0] =	vst v9;
	v9 =	vimm.s32 $0x0  }
0xa6: {  	v9 =	vsel vm13, $0xFFFFFFFF, v9  }
0xa7: {  	s31 =	simm.s32 $0x0;
	s0 =	simm.s32 $0x0;
	[tilespmem:$0x1FFF0] =	vst v9  }
.LBB2_3:
0xa8: {  	s6 =	sadd.s32 $0x3, s0  }
0xa9: {  	p1 =	sge.s32 s6, s10  }
.Ltmp3:
0xaa: {  	_ = 	snop;
	(pc) =	sbr.rel @p1 .LBB2_5-.Ltmp3, $1  }
0xab: {  	_ =	sdelay $0x3  }
0xac: {  	s8 =	sadd.s32 s5, s6  }
0xad: {  	s8 =	sshll.u32 s8, $0x4  }
0xae: {  	p1 =	slt.s32 s8, $0x6198  }
0xaf: {  	s8 =	simm.s32 @!p1 $0x6198  }
0xb0: {  	s8 =	sshll.u32 s8, $0xA  }
0xb1: {  	s6 =	sand.u32 $0x3, s6;
	s2 =	simm.s32 $0x4000;
	s9 =	sshrl.u32 s8, $0x3  }
0xb2: {  	s11 =	sadd.s32 $0x1, s6;
	s12 =	sshll.u32 s6, $0xE;
	s9 =	sadd.s32 s1, s9  }
0xb3: {  	[tilespmem:s12], [sflag:s11] =	stream.strided.gather [hbm4b:s9+s2], $0x0, s25, s2, $0x38;
	[tilespmem:$0x1C080] =	vst v63  }
0xb4: {  	_ = 	snop  }
0xb5: {  	[tilespmem:s12], [sflag:s11] =	stream.linear.gather [hbm4b:s9+s4], $0x300, $0x38;
	[tilespmem:$0x1C080] =	vst v63  }
0xb6: {  	s16 =	sor.u32 $0x400, s12;
	s15 =	sadd.s32 $0x80, s9  }
0xb7: {  	[tilespmem:s16], [sflag:s11] =	stream.linear.gather [hbm4b:s15+s4], $0x300, $0x38;
	[tilespmem:$0x1C080] =	vst v63  }
0xb8: {  	s20 =	sor.u32 $0x800, s12;
	s19 =	sadd.s32 $0x100, s9  }
0xb9: {  	[tilespmem:s20], [sflag:s11] =	stream.linear.gather [hbm4b:s19+s4], $0x300, $0x38;
	[tilespmem:$0x1C080] =	vst v63  }
0xba: {  	s22 =	sor.u32 $0xC00, s12;
	s21 =	sadd.s32 $0x180, s9  }
0xbb: {  	[tilespmem:s22], [sflag:s11] =	stream.linear.gather [hbm4b:s21+s4], $0x300, $0x38;
	[tilespmem:$0x1C080] =	vst v63  }
0xbc: {  	s24 =	sor.u32 $0x1000, s12;
	s23 =	sadd.s32 $0x200, s9  }
0xbd: {  	[tilespmem:s24], [sflag:s11] =	stream.linear.gather [hbm4b:s23+s4], $0x300, $0x38;
	[tilespmem:$0x1C080] =	vst v63  }
0xbe: {  	s29 =	sor.u32 $0x1400, s12;
	s26 =	sadd.s32 $0x280, s9  }
0xbf: {  	[tilespmem:s29], [sflag:s11] =	stream.linear.gather [hbm4b:s26+s4], $0x300, $0x38;
	[tilespmem:$0x1C080] =	vst v63  }
0xc0: {  	s30 =	sadd.s32 $0x300, s9;
	s2 =	sor.u32 $0x1800, s12  }
0xc1: {  	[tilespmem:s2], [sflag:s11] =	stream.linear.gather [hbm4b:s30+s4], $0x300, $0x38;
	[tilespmem:$0x1C080] =	vst v63  }
0xc2: {  	s18 =	sor.u32 $0x1C00, s12;
	s17 =	sadd.s32 $0x380, s9  }
0xc3: {  	[tilespmem:s18], [sflag:s11] =	stream.linear.gather [hbm4b:s17+s4], $0x300, $0x38;
	[tilespmem:$0x1C080] =	vst v63  }
0xc4: {  	s19 =	sadd.s32 $0x400, s9;
	s20 =	sor.u32 $0x2000, s12  }
0xc5: {  	[tilespmem:s20], [sflag:s11] =	stream.linear.gather [hbm4b:s19+s4], $0x300, $0x38;
	[tilespmem:$0x1C080] =	vst v63  }
0xc6: {  	s21 =	sadd.s32 $0x480, s9;
	s22 =	sor.u32 $0x2400, s12  }
0xc7: {  	[tilespmem:s22], [sflag:s11] =	stream.linear.gather [hbm4b:s21+s4], $0x300, $0x38;
	[tilespmem:$0x1C080] =	vst v63  }
0xc8: {  	s23 =	sadd.s32 $0x500, s9;
	s24 =	sor.u32 $0x2800, s12  }
0xc9: {  	[tilespmem:s24], [sflag:s11] =	stream.linear.gather [hbm4b:s23+s4], $0x300, $0x38;
	[tilespmem:$0x1C080] =	vst v63  }
0xca: {  	s26 =	sadd.s32 $0x580, s9;
	s29 =	sor.u32 $0x2C00, s12;
	s30 =	sadd.s32 $0x600, s9  }
0xcb: {  	[tilespmem:s29], [sflag:s11] =	stream.linear.gather [hbm4b:s26+s4], $0x300, $0x38;
	[tilespmem:$0x1C080] =	vst v63  }
0xcc: {  	s2 =	sor.u32 $0x3000, s12;
	s17 =	sadd.s32 $0x680, s9;
	s18 =	sor.u32 $0x3400, s12  }
0xcd: {  	[tilespmem:s2], [sflag:s11] =	stream.linear.gather [hbm4b:s30+s4], $0x300, $0x38;
	[tilespmem:$0x1C080] =	vst v63  }
0xce: {  	s19 =	sadd.s32 $0x700, s9;
	s20 =	sor.u32 $0x3800, s12;
	s21 =	sadd.s32 $0x186A100, s8  }
0xcf: {  	[tilespmem:s18], [sflag:s11] =	stream.linear.gather [hbm4b:s17+s4], $0x300, $0x38;
	[tilespmem:$0x1C080] =	vst v63  }
0xd0: {  	s9 =	sadd.s32 $0x780, s9;
	s22 =	sshll.u32 s6, $0xD;
	s8 =	sadd.s32 $0x186A200, s8  }
0xd1: {  	[tilespmem:s20], [sflag:s11] =	stream.linear.gather [hbm4b:s19+s4], $0x300, $0x38;
	[tilespmem:$0x1C080] =	vst v63  }
0xd2: {  	s12 =	sor.u32 $0x3C00, s12;
	s8 =	sshrl.u32 s8, $0x3;
	s23 =	sshrl.u32 s22, $0x2  }
0xd3: {  	[tilespmem:s12], [sflag:s11] =	stream.linear.gather [hbm4b:s9+s4], $0x300, $0x38;
	[tilespmem:$0x1C080] =	vst v63  }
0xd4: {  	s24 =	sadd.s32 $0x5, s6;
	s6 =	sadd.s32 $0x9, s6;
	s9 =	sshrl.u32 s21, $0x3  }
0xd5: {  	s26 =	simm.s32 $0x80;
	s12 =	sor.u32 $0x10000, s23;
	s9 =	sadd.s32 s1, s9  }
0xd6: {  	[tilespmem:s12], [sflag:s24] =	stream.strided.gather [hbm4b:s9+s26], $0x800, s25, s26, $0x38;
	[tilespmem:$0x1C080] =	vst v63  }
0xd7: {  	s8 =	sadd.s32 s1, s8;
	s29 =	sadd.s32 $0x12000, s22;
	s30 =	simm.s32 $0x200  }
0xd8: {  	[tilespmem:s29], [sflag:s6] =	stream.strided.gather [hbm4b:s8+s30], $0x2000, s25, s30, $0x38;
	[tilespmem:$0x1C080] =	vst v63  }
.LBB2_5:
0xd9: {  	s6 =	sand.u32 $0x3, s0  }
0xda: {  	s8 =	sadd.s32 $0x1, s6  }
0xdb: {  	_ =	swait.ge [sflag:s8], $0x3000  }
0xdc: {  	[sflag:s8] =	ssyncset.done $0x0  }
0xdd: {  	s19 =	sadd.s32 $0x5, s6;
	[sflag:s8] =	ssyncadd.s32 $0xFFFFD000  }
0xde: {  	_ =	swait.ge [sflag:s19], $0x800  }
0xdf: {  	[sflag:s19] =	ssyncset.done $0x0  }
0xe0: {  	s9 =	sadd.s32 $0x9, s6;
	[sflag:s19] =	ssyncadd.s32 $0xFFFFF800  }
0xe1: {  	s20 =	sshll.u32 s31, $0xB;
	_ =	swait.ge [sflag:s9], $0x2000  }
0xe2: {  	p1 =	slt.u32 s0, $0x4;
	s12 =	simm.s32 $0x0;
	[sflag:s9] =	ssyncset.done $0x0  }
0xe3: {  	s15 =	simm.s32 $0x30;
	s11 =	sadd.s32 @!p1 $0xD, s6;
	[sflag:s9] =	ssyncadd.s32 $0xFFFFE000  }
0xe4: {  	s16 =	sand.u32 $0x1800, s20;
	s12 =	sand.u32 $0x3FFFFC00, s12;
	_ =	swait.ge @!p1 [sflag:s11], $0x800  }
0xe5: {  	s18 =	sand.u32 $0x70, s15;
	s9 =	sshll.u32 s6, $0xE;
	[sflag:s11] =	ssyncset.done @!p1 $0x0  }
0xe6: {  	s8 =	sor.u32 $0x10020, s16;
	s22 =	sadd.s32 s12, s9;
	[sflag:s11] =	ssyncadd.s32 @!p1 $0xFFFFF800  }
0xe7: {  	s19 =	sadd.s32 s18, s22;
	v9 =	vld [tilespmem:s8+$0x10]  }
0xe8: {  	v10 =	vld [tilespmem:s19+$0x200]  }
0xe9: {  	v11 =	vld [tilespmem:s19+$0x0]  }
0xea: {  	s23 =	simm.s32 $0x0;
	s21 =	sshll.u32 s6, $0xD;
	v12 =	vld [tilespmem:s19+$0x80]  }
0xeb: {  	s15 =	sand.u32 $0x3FFFFE00, s23;
	s12 =	sadd.s32 $0x12000, s21;
	v13 =	vld [tilespmem:s19+$0x100]  }
0xec: {  	s26 =	simm.s32 $0x10;
	s15 =	sadd.s32 s15, s12;
	v14 =	vld [tilespmem:s19+$0x180]  }
0xed: {  	s24 =	sadd.s32 s18, s15;
	s18 =	sand.u32 $0x50, s26;
	v15 =	vld [tilespmem:s19+$0x280]  }
0xee: {  	v33 =	vld [tilespmem:s24+$0x100];
	s23 =	sadd.s32 s18, s22  }
0xef: {  	v35 =	vld [tilespmem:s23+$0x100]  }
0xf0: {  	s11 =	simm.s32 $0x0;
	v36 =	vld [tilespmem:s23+$0x180]  }
0xf1: {  	s17 =	sand.u32 $0x40, s11;
	v24 =	vld [tilespmem:s23+$0x200]  }
0xf2: {  	s29 =	simm.s32 $0x20;
	s21 =	sadd.s32 s17, s22;
	v27 =	vld [tilespmem:s23+$0x280]  }
0xf3: {  	s19 =	sand.u32 $0x60, s29;
	v16 =	vld [tilespmem:s21+$0x0]  }
0xf4: {  	vm14 =	vlt.f32 v8, $5.000000000e-01;
	s22 =	sadd.s32 s19, s22;
	v18 =	vld [tilespmem:s21+$0x80]  }
0xf5: {  	v48 =	vimm.s32 $0x0;
	v49 =	vimm.s32 $0x0;
	v50 =	vimm.s32 $0x0;
	v37 =	vld [tilespmem:s22+$0x0]  }
0xf6: {  	v51 =	vimm.s32 $0x0;
	v52 =	vimm.s32 $0x0;
	v53 =	vimm.s32 $0x0;
	v38 =	vld [tilespmem:s22+$0x80]  }
0xf7: {  	v55 =	vimm.s32 $0x0;
	v56 =	vimm.s32 $0x0;
	v57 =	vimm.s32 $0x0;
	v39 =	vld [tilespmem:s22+$0x100]  }
0xf8: {  	v58 =	vimm.s32 $0x0;
	v59 =	vimm.s32 $0x0;
	v60 =	vimm.s32 $0x0;
	v40 =	vld [tilespmem:s22+$0x180]  }
0xf9: {  	v61 =	vimm.s32 $0x0;
	v20 =	vmax.f32 v11, v12;
	v21 =	vmax.f32 v13, v14  }
0xfa: {  	v17 =	vld [tilespmem:s24+$0x80];
	v10 =	vmax.f32 v10, v15;
	v9 =	vmul.f32 $5.000000000e-01, v9;
	vm7 =	vgt.f32 v33, $5.000000000e-01  }
0xfb: {  	v22 =	vld [tilespmem:s24+$0x180];
	v20 =	vmax.f32 v20, v21;
	vm9 =	vmneg vm7;
	v28 =	vmax.f32 v35, v36  }
0xfc: {  	v34 =	vld [tilespmem:s24+$0x0];
	v46 =	vmax.f32 v24, v27;
	v10 =	vmax.f32 v20, v10;
	vm3 =	vlt.f32 v7, v9  }
0xfd: {  	v19 =	vld [tilespmem:s21+$0x100];
	v23 =	vmax.f32 v16, v18;
	v29 =	vmax.f32 v37, v38;
	v43 =	vmax.f32 v39, v40  }
0xfe: {  	v9 =	vld [tilespmem:s21+$0x180];
	vm0 =	vlt.f32 v11, v10;
	vm1 =	vlt.f32 v12, v10;
	vm2 =	vlt.f32 v13, v10  }
0xff: {  	vm4 =	vlt.f32 v14, v10;
	v10 =	vld [tilespmem:s23+$0x0];
	v44 =	vmax.f32 v29, v43;
	vm5 =	vmneg vm1  }
0x100: {  	v11 =	vld [tilespmem:s23+$0x80];
	vm4 =	vmneg vm4;
	vm2 =	vmand vm2, vm1;
	vm1 =	vgt.f32 v17, $0.0e+00  }
0x101: {  	vm5 =	vmand vm0, vm5;
	vm2 =	vmand vm2, vm4;
	vm4 =	vgt.f32 v22, $5.000000000e-01  }
0x102: {  	vm6 =	vmand vm0, vm2;
	vm0 =	vmand vm14, vm5;
	vm2 =	vlt.f32 v6, v34  }
0x103: {  	v41 =	vld [tilespmem:s21+$0x200];
	vm11 =	vmneg vm4;
	vm8 =	vmxor vm0, vm6;
	vm10 =	vmor vm14, vm2  }
0x104: {  	v42 =	vld [tilespmem:s21+$0x280];
	vm3 =	vmand vm3, vm11;
	vm6 =	vmand vm12, vm6;
	v25 =	vmax.f32 v19, v9  }
0x105: {  	vm8 =	vmneg vm8;
	v26 =	vmax.f32 v10, v11;
	v23 =	vmax.f32 v23, v25  }
0x106: {  	vm10 =	vmand vm10, vm8;
	vm8 =	vmand vm9, vm8;
	v26 =	vmax.f32 v26, v28  }
0x107: {  	v30 =	vld [tilespmem:s22+$0x200];
	vm4 =	vmand vm4, vm8;
	vm7 =	vmand vm7, vm10;
	vm3 =	vmand vm3, vm8  }
0x108: {  	v31 =	vld [tilespmem:s22+$0x280];
	vm4 =	vmand vm13, vm4;
	vm6 =	vmor vm6, vm7;
	vm3 =	vmand vm5, vm3  }
0x109: {  	vm5 =	vgt.f32 v6, v17;
	v17 =	vmax.f32 v41, v42;
	vm4 =	vmor vm6, vm4  }
0x10a: {  	vm1 =	vmand vm1, vm5;
	v17 =	vmax.f32 v23, v17;
	vm3 =	vmor vm3, vm4  }
0x10b: {  	vm1 =	vmor vm1, vm3;
	vm3 =	vlt.f32 v9, v17;
	v9 =	vmax.f32 v26, v46  }
0x10c: {  	vm10 =	vlt.f32 v16, v17;
	vm1 =	vmor vm1, vm2;
	vm4 =	vlt.f32 v11, v9  }
0x10d: {  	vm5 =	vlt.f32 v35, v9;
	v11 =	vmax.f32 v30, v31;
	vm3 =	vmneg vm3  }
0x10e: {  	vm6 =	vlt.f32 v36, v9;
	vm11 =	vlt.f32 v10, v9;
	vm0 =	vmor vm0, vm1  }
0x10f: {  	vm1 =	vlt.f32 v19, v17;
	v11 =	vmax.f32 v44, v11;
	vm6 =	vmneg vm6  }
0x110: {  	v45 =	vsel vm0, $0x0, v5;
	vm0 =	vlt.f32 v18, v17;
	vm7 =	vlt.f32 v38, v11  }
0x111: {  	vm8 =	vlt.f32 v39, v11;
	vm9 =	vlt.f32 v40, v11;
	vm2 =	vmneg vm0  }
0x112: {  	vm0 =	vmand vm1, vm0;
	vm1 =	vmneg vm4;
	vm4 =	vmand vm5, vm4  }
0x113: {  	s17 =	sadd.s32 s17, s15;
	vm5 =	vmneg vm7;
	vm9 =	vmneg vm9;
	vm7 =	vmand vm8, vm7  }
0x114: {  	v47 =	vld [tilespmem:s17+$0x0];
	vm8 =	vmand vm10, vm2;
	vm0 =	vmand vm0, vm3;
	vm2 =	vlt.f32 v37, v11  }
0x115: {  	s18 =	sadd.s32 s18, s15;
	v9 =	vld [tilespmem:s17+$0x100];
	vm15 =	vmand vm11, vm1;
	vm1 =	vmand vm4, vm6;
	vm5 =	vmand vm2, vm5  }
0x116: {  	v10 =	vld [tilespmem:s18+$0x0];
	vm4 =	vmand vm10, vm0;
	v13 =	vsel vm8, $0xFFFFFFFF, v48;
	vm3 =	vmand vm14, vm8  }
0x117: {  	s19 =	sadd.s32 s19, s15;
	v11 =	vld [tilespmem:s18+$0x100];
	vm0 =	vmand vm7, vm9;
	vm6 =	vmand vm11, vm1;
	v14 =	vsel vm15, $0xFFFFFFFF, v49;
	[tilespmem:$0x1FEF0] =	vst v13  }
0x118: {  	vm1 =	vmand vm14, vm15;
	vm7 =	vmand vm2, vm0;
	v15 =	vsel vm3, $0xFFFFFFFF, v50;
	v13 =	vld [tilespmem:s19+$0x0];
	[tilespmem:$0x1FF00] =	vst v14  }
0x119: {  	vm0 =	vmxor vm3, vm4;
	vm2 =	vlt.f32 v6, v47;
	v14 =	vld [tilespmem:s19+$0x100];
	[tilespmem:$0x1FF10] =	vst v15;
	v15 =	vsel vm4, $0xFFFFFFFF, v51  }
0x11a: {  	vm0 =	vmneg vm0;
	vm4 =	vgt.f32 v9, $5.000000000e-01;
	[tilespmem:$0x1FF20] =	vst v15;
	v15 =	vsel vm1, $0xFFFFFFFF, v52  }
0x11b: {  	v9 =	vimm.s32 $0x0;
	vm1 =	vmxor vm1, vm6;
	[tilespmem:$0x1FF30] =	vst v15;
	v15 =	vsel vm6, $0xFFFFFFFF, v53  }
0x11c: {  	v9 =	vsel vm2, $0xFFFFFFFF, v9;
	vm2 =	vmor vm14, vm2;
	vm3 =	vmneg vm4;
	[tilespmem:$0x1FF40] =	vst v15  }
0x11d: {  	vm6 =	vmand vm14, vm5;
	vm11 =	vmand vm3, vm0;
	v15 =	vsel vm5, $0xFFFFFFFF, v55;
	v54 =	vld [tilespmem:s8+$0xFFFFFFE0];
	[tilespmem:$0x1FF50] =	vst v9  }
0x11e: {  	vm1 =	vmneg vm1;
	vm5 =	vmand vm2, vm0;
	v16 =	vsel vm6, $0xFFFFFFFF, v56;
	v9 =	vld [tilespmem:s8+$0xFFFFFFF0];
	[tilespmem:$0x1FF60] =	vst v15  }
0x11f: {  	vm0 =	vmxor vm6, vm7;
	vm2 =	vlt.f32 v6, v10;
	v15 =	vld [tilespmem:s8+$0x0];
	[tilespmem:$0x1FF70] =	vst v16;
	v16 =	vsel vm7, $0xFFFFFFFF, v57  }
0x120: {  	vm0 =	vmneg vm0;
	vm8 =	vlt.f32 v6, v13;
	[tilespmem:$0x1FF80] =	vst v16;
	v16 =	vsel vm2, $0xFFFFFFFF, v58  }
0x121: {  	v13 =	vsel vm14, $0xFFFFFFFF, v59;
	vm5 =	vmand vm4, vm5;
	vm2 =	vmor vm14, vm2;
	v10 =	vld [tilespmem:s17+$0x180];
	[tilespmem:$0x1FF90] =	vst v16  }
0x122: {  	vm3 =	vgt.f32 v14, $5.000000000e-01;
	vm6 =	vmand vm2, vm1;
	vm2 =	vgt.f32 v11, $5.000000000e-01;
	v16 =	vld [tilespmem:s18+$0x180]  }
0x123: {  	v11 =	vld [tilespmem:s19+$0x180];
	vm7 =	vmneg vm2;
	[tilespmem:$0x1FFA0] =	vst v13;
	v13 =	vsel vm8, $0xFFFFFFFF, v60;
	vm8 =	vmor vm14, vm8  }
0x124: {  	v12 =	vmul.f32 $5.000000000e-01, v54;
	vm1 =	vmand vm7, vm1;
	vm7 =	vmneg vm3  }
0x125: {  	vm9 =	vmand vm8, vm0;
	v62 =	vmul.f32 $5.000000000e-01, v9;
	vm0 =	vmand vm7, vm0  }
0x126: {  	[tilespmem:$0x1FFB0] =	vst v13;
	v13 =	vsel vm0, $0xFFFFFFFF, v61;
	vm4 =	vgt.f32 v10, $5.000000000e-01;
	v10 =	vimm.s32 $0x0  }
0x127: {  	s30 =	sadd.s32 s5, s0;
	v63 =	vmul.f32 $5.000000000e-01, v15;
	[tilespmem:$0x1FFC0] =	vst v13;
	v10 =	vsel vm11, $0xFFFFFFFF, v10  }
0x128: {  	s15 =	sshll.u32 s30, $0x4;
	vm13 =	vlt.f32 v7, v12;
	vm15 =	vlt.f32 v7, v62;
	v9 =	vld [tilespmem:s17+$0x80];
	vm10 =	vmneg vm4;
	[tilespmem:$0x1FFD0] =	vst v10  }
0x129: {  	s16 =	sor.u32 $0x1A020, s16;
	p1 =	slt.s32 s15, $0x6198;
	vm7 =	vmand vm4, vm11;
	vm8 =	vgt.f32 v16, $5.000000000e-01;
	vm4 =	vgt.f32 v11, $5.000000000e-01;
	v10 =	vld [tilespmem:s18+$0x80]  }
0x12a: {  	s26 =	simm.s32 $0x0;
	s15 =	simm.s32 @!p1 $0x6198;
	s21 =	smov.u32 s16;
	vm14 =	vlt.f32 v7, v63;
	vm11 =	vmneg vm8;
	vm12 =	vmneg vm4;
	[tilespmem:s16+$0x10] =	vst v45;
	v11 =	vld [tilespmem:s19+$0x80]  }
.LBB2_6:
0x12b: {  	v33 =	vld [tilespmem:$0x1FFE0]  }
0x12c: {  	v34 =	vld [tilespmem:$0x1FF20]  }
0x12d: {  	v35 =	vld [tilespmem:$0x1FF40]  }
0x12e: {  	v36 =	vld [tilespmem:$0x1FFC0]  }
0x12f: {  	v37 =	vld [tilespmem:$0x1FF80]  }
0x130: {  	v38 =	vld [tilespmem:$0x1FFF0]  }
0x131: {  	v14 =	vld [tilespmem:$0x1FFD0]  }
0x132: {  	v16 =	vld [tilespmem:$0x1FEF0]  }
0x133: {  	v43 =	vld [tilespmem:$0x1FF00]  }
0x134: {  	v19 =	vld [tilespmem:$0x1FF50]  }
0x135: {  	s26 =	sadd.s32 $0x4, s26;
	vm0 =	vmand vm2, vm6;
	v12 =	vimm.s32 $0x0;
	v45 =	vld [tilespmem:$0x1FF90]  }
0x136: {  	v32 =	vimm.s32 $0x0;
	s11 =	sadd.s32 $0x40, s11;
	s8 =	sadd.s32 $0x40, s8;
	v55 =	vld [tilespmem:$0x1FFA0];
	v12 =	vsel vm0, $0xFFFFFFFF, v12;
	vm0 =	vmand vm3, vm9;
	s17 =	sshll.u32 s26, $0x7  }
0x137: {  	s19 =	sadd.s32 $0x30, s11;
	v39 =	vld [tilespmem:s8+$0x10];
	[tilespmem:$0x1FED0] =	vst v12;
	v12 =	vsel vm0, $0xFFFFFFFF, v32;
	s17 =	sand.u32 $0x3FFFFC00, s17  }
0x138: {  	s29 =	sand.u32 $0x70, s19;
	[tilespmem:$0x1FEE0] =	vst v12;
	s17 =	sadd.s32 s17, s9;
	v13 =	vld [tilespmem:$0x1FED0]  }
0x139: {  	s20 =	sadd.s32 s29, s17;
	v41 =	vld [tilespmem:$0x1FEE0]  }
0x13a: {  	v42 =	vld [tilespmem:s20+$0x0]  }
0x13b: {  	v15 =	vld [tilespmem:s20+$0x80]  }
0x13c: {  	vm2 =	vmmov vm1;
	vm6 =	vmand vm8, vm1;
	vm10 =	vmand vm13, vm10;
	s30 =	sand.u32 $0x40, s11;
	s19 =	sadd.s32 $0x20, s11;
	v44 =	vld [tilespmem:s20+$0x100]  }
0x13d: {  	vm11 =	vmand vm15, vm11;
	s18 =	sadd.s32 $0x10, s11;
	s2 =	sand.u32 $0x60, s19;
	s19 =	sadd.s32 s30, s17;
	vm9 =	vnez.u8 v33;
	vm0 =	vnez.u8 v34;
	v17 =	vld [tilespmem:s20+$0x180]  }
0x13e: {  	s23 =	sand.u32 $0x50, s18;
	vm13 =	vnez.u8 v37;
	v46 =	vld [tilespmem:s19+$0x100];
	vm15 =	vnez.u8 v55;
	v55 =	vimm.s32 $0x0  }
0x13f: {  	s22 =	sadd.s32 s23, s17;
	v52 =	vld [tilespmem:s19+$0x180];
	vm8 =	vmand vm9, vm0;
	vm0 =	vnez.u8 v35;
	vm13 =	vmand vm9, vm13  }
0x140: {  	v54 =	vld [tilespmem:s22+$0x100];
	v12 =	vmul.f32 $5.000000000e-01, v39;
	vm1 =	vmand vm9, vm0;
	vm0 =	vnez.u8 v36  }
0x141: {  	s18 =	sadd.s32 s2, s17;
	v56 =	vld [tilespmem:s22+$0x180];
	vm9 =	vnez.u8 v38;
	vm5 =	vmor vm8, vm5;
	vm8 =	vmand vm14, vm12  }
0x142: {  	v57 =	vld [tilespmem:s18+$0x0];
	vm4 =	vmand vm4, vm0;
	vm7 =	vmand vm9, vm7;
	vm3 =	vnez.u8 v13  }
0x143: {  	v58 =	vld [tilespmem:s18+$0x80];
	vm6 =	vmand vm9, vm6;
	vm3 =	vmor vm1, vm3;
	vm4 =	vmand vm9, vm4  }
0x144: {  	v59 =	vld [tilespmem:s18+$0x100];
	vm1 =	vnez.u8 v14;
	vm5 =	vmor vm5, vm7;
	vm7 =	vnez.u8 v43  }
0x145: {  	v61 =	vld [tilespmem:s18+$0x180];
	vm9 =	vmand vm10, vm1;
	vm1 =	vmand vm11, vm2;
	vm2 =	vnez.u8 v41  }
0x146: {  	v22 =	vld [tilespmem:$0x1FFB0];
	vm0 =	vmand vm8, vm0;
	vm2 =	vmor vm13, vm2;
	vm1 =	vmand vm7, vm1  }
0x147: {  	vm7 =	vgt.f32 v6, v9;
	vm2 =	vmor vm2, vm4;
	vm4 =	vgt.f32 v9, $0.0e+00;
	v9 =	vld [tilespmem:$0x1FF60]  }
0x148: {  	v49 =	vld [tilespmem:$0x1FF10];
	vm3 =	vmor vm3, vm6;
	vm6 =	vnez.u8 v16;
	vm10 =	vgt.f32 v11, $0.0e+00  }
0x149: {  	v50 =	vld [tilespmem:$0x1FF30];
	v20 =	vmax.f32 v42, v15;
	v21 =	vmax.f32 v44, v17;
	v24 =	vmax.f32 v46, v52  }
0x14a: {  	v40 =	vld [tilespmem:s20+$0x200];
	v28 =	vmax.f32 v54, v56;
	v29 =	vmax.f32 v57, v58;
	v30 =	vmax.f32 v59, v61  }
0x14b: {  	v18 =	vld [tilespmem:s19+$0x80];
	vm6 =	vmand vm6, vm9;
	vm9 =	vgt.f32 v6, v10;
	v20 =	vmax.f32 v20, v21  }
0x14c: {  	s24 =	sshll.u32 s26, $0x6;
	v33 =	vld [tilespmem:s18+$0x200];
	v29 =	vmax.f32 v29, v30;
	vm5 =	vmor vm6, vm5;
	vm8 =	vnez.u8 v9  }
0x14d: {  	s17 =	sand.u32 $0x3FFFFE00, s24;
	v34 =	vld [tilespmem:s18+$0x280];
	vm1 =	vmor vm1, vm3;
	vm0 =	vmand vm8, vm0;
	vm8 =	vgt.f32 v10, $0.0e+00  }
0x14e: {  	s24 =	sadd.s32 s17, s12;
	vm3 =	vgt.f32 v6, v11;
	vm4 =	vmand vm4, vm7;
	v9 =	vld [tilespmem:s19+$0x0];
	vm6 =	vmand vm8, vm9  }
0x14f: {  	v10 =	vld [tilespmem:s20+$0x280];
	s20 =	sadd.s32 s29, s24;
	vm0 =	vmor vm0, vm2;
	vm2 =	vmor vm4, vm5;
	vm4 =	vnez.u8 v19  }
0x150: {  	vm3 =	vmand vm10, vm3;
	v11 =	vld [tilespmem:s20+$0x80];
	vm1 =	vmor vm6, vm1;
	vm2 =	vmor vm2, vm4  }
0x151: {  	v48 =	vld [tilespmem:s20+$0x100];
	vm4 =	vnez.u8 v45;
	vm0 =	vmor vm3, vm0;
	vm3 =	vnez.u8 v22  }
0x152: {  	vm6 =	vlt.f32 v7, v12;
	vm0 =	vmor vm0, vm3;
	vm3 =	vnez.u8 v49  }
0x153: {  	v60 =	vld [tilespmem:$0x1FFE0];
	v45 =	vmax.f32 v33, v34;
	vm1 =	vmor vm1, vm4;
	vm4 =	vmor vm3, vm2  }
0x154: {  	v25 =	vld [tilespmem:s22+$0x200];
	vm2 =	vnez.u8 v50;
	v23 =	vmax.f32 v9, v18;
	v10 =	vmax.f32 v40, v10  }
0x155: {  	v27 =	vld [tilespmem:s22+$0x280];
	vm1 =	vmor vm2, vm1;
	v23 =	vmax.f32 v23, v24;
	v36 =	vsel vm4, $0x0, v5  }
0x156: {  	v47 =	vld [tilespmem:s20+$0x180];
	v10 =	vmax.f32 v20, v10;
	vm2 =	vgt.f32 v11, $0.0e+00;
	vm10 =	vgt.f32 v48, $5.000000000e-01  }
0x157: {  	v51 =	vld [tilespmem:s20+$0x0];
	v39 =	vsel vm1, $0x0, v5;
	vm3 =	vlt.f32 v42, v10;
	vm5 =	vlt.f32 v15, v10  }
0x158: {  	v62 =	vld [tilespmem:$0x1FFF0];
	vm7 =	vlt.f32 v44, v10;
	vm8 =	vlt.f32 v17, v10;
	vm13 =	vmneg vm10  }
0x159: {  	v53 =	vld [tilespmem:s22+$0x80];
	vm9 =	vmneg vm5;
	vm8 =	vmneg vm8;
	vm5 =	vmand vm7, vm5  }
0x15a: {  	v10 =	vld [tilespmem:s22+$0x0];
	v42 =	vmax.f32 v25, v27;
	v15 =	vmax.f32 v29, v45;
	vm5 =	vmand vm5, vm8  }
0x15b: {  	vm7 =	vmand vm3, vm9;
	vm8 =	vgt.f32 v47, $5.000000000e-01;
	vm9 =	vmand vm3, vm5  }
0x15c: {  	vm3 =	vmand vm15, vm7;
	vm11 =	vmneg vm8;
	vm5 =	vlt.f32 v6, v51  }
0x15d: {  	vm12 =	vmxor vm3, vm9;
	vm14 =	vmor vm15, vm5;
	vm6 =	vmand vm6, vm11  }
0x15e: {  	vm11 =	vnez.u8 v60;
	v60 =	vimm.s32 $0x0;
	vm12 =	vmneg vm12  }
0x15f: {  	vm9 =	vmand vm11, vm9;
	vm11 =	vnez.u8 v62;
	v26 =	vmax.f32 v10, v53  }
0x160: {  	v62 =	vimm.s32 $0x0;
	vm14 =	vmand vm14, vm12;
	vm12 =	vmand vm13, vm12  }
0x161: {  	v63 =	vld [tilespmem:s19+$0x200];
	v26 =	vmax.f32 v26, v28;
	vm10 =	vmand vm10, vm14;
	vm8 =	vmand vm8, vm12  }
0x162: {  	v37 =	vld [tilespmem:$0x1FF70];
	s17 =	sadd.s32 s30, s24;
	vm6 =	vmand vm6, vm12;
	v19 =	vmax.f32 v26, v42;
	vm8 =	vmand vm11, vm8  }
0x163: {  	v31 =	vld [tilespmem:s17+$0x0];
	vm9 =	vmor vm9, vm10;
	vm6 =	vmand vm7, vm6;
	vm7 =	vgt.f32 v6, v11  }
0x164: {  	v38 =	vld [tilespmem:s17+$0x100];
	vm4 =	vlt.f32 v53, v19;
	vm11 =	vlt.f32 v10, v19;
	v10 =	vimm.s32 $0x0  }
0x165: {  	v11 =	vld [tilespmem:s19+$0x280];
	[tilespmem:s21+$0xFFFFFFE0] =	vst v36;
	v53 =	vimm.s32 $0x0;
	vm8 =	vmor vm9, vm8;
	vm2 =	vmand vm2, vm7  }
0x166: {  	v47 =	vld [tilespmem:s8+$0xFFFFFFE0];
	vm7 =	vlt.f32 v58, v15;
	vm9 =	vlt.f32 v61, v15;
	v61 =	vimm.s32 $0x0  }
0x167: {  	v50 =	vld [tilespmem:s17+$0x180];
	vm6 =	vmor vm6, vm8;
	vm8 =	vlt.f32 v59, v15;
	vm9 =	vmneg vm9  }
0x168: {  	v59 =	vimm.s32 $0x0;
	vm2 =	vmor vm2, vm6;
	vm6 =	vlt.f32 v56, v19  }
0x169: {  	vm2 =	vmor vm2, vm5;
	vm5 =	vlt.f32 v54, v19;
	vm6 =	vmneg vm6  }
0x16a: {  	v54 =	vimm.s32 $0x0;
	vm2 =	vmor vm3, vm2;
	v11 =	vmax.f32 v63, v11  }
0x16b: {  	v63 =	vimm.s32 $0x0;
	v35 =	vsel vm2, $0x0, v5;
	vm2 =	vnez.u8 v37  }
0x16c: {  	s23 =	sadd.s32 s23, s24;
	v11 =	vmax.f32 v23, v11;
	v56 =	vmul.f32 $5.000000000e-01, v47;
	vm14 =	vgt.f32 v50, $5.000000000e-01  }
0x16d: {  	v41 =	vld [tilespmem:s23+$0x0];
	[tilespmem:s21+$0xFFFFFFF0] =	vst v39;
	vm0 =	vmor vm2, vm0;
	vm1 =	vlt.f32 v18, v11;
	vm2 =	vlt.f32 v46, v11  }
0x16e: {  	v48 =	vld [tilespmem:s8+$0xFFFFFFF0];
	vm3 =	vlt.f32 v52, v11;
	vm10 =	vlt.f32 v9, v11;
	v11 =	vimm.s32 $0x0  }
0x16f: {  	v40 =	vsel vm0, $0x0, v5;
	vm0 =	vmneg vm1;
	vm3 =	vmneg vm3  }
0x170: {  	vm1 =	vmand vm2, vm1;
	vm2 =	vmneg vm4;
	vm4 =	vmand vm5, vm4  }
0x171: {  	vm5 =	vmneg vm7;
	vm7 =	vmand vm8, vm7;
	vm8 =	vmand vm10, vm0  }
0x172: {  	vm0 =	vmand vm1, vm3;
	vm1 =	vlt.f32 v57, v15;
	vm12 =	vmand vm11, vm2  }
0x173: {  	s30 =	sadd.s32 s2, s24;
	[tilespmem:s21+$0x0] =	vst v40;
	vm2 =	vmand vm4, vm6;
	v57 =	vmul.f32 $5.000000000e-01, v48;
	vm4 =	vmand vm1, vm5  }
0x174: {  	v44 =	vld [tilespmem:s30+$0x0];
	vm5 =	vmand vm10, vm0;
	v10 =	vsel vm8, $0xFFFFFFFF, v10;
	vm3 =	vmand vm15, vm8  }
0x175: {  	v46 =	vld [tilespmem:s30+$0x100];
	vm0 =	vmand vm7, vm9;
	vm7 =	vmand vm11, vm2;
	v11 =	vsel vm12, $0xFFFFFFFF, v11  }
0x176: {  	v49 =	vld [tilespmem:s8+$0x0];
	vm2 =	vmand vm15, vm12;
	vm8 =	vlt.f32 v6, v41;
	[tilespmem:$0x1FF00] =	vst v11;
	v11 =	vimm.s32 $0x0  }
0x177: {  	vm6 =	vmand vm1, vm0;
	vm0 =	vmxor vm3, vm5;
	v11 =	vsel vm3, $0xFFFFFFFF, v11  }
0x178: {  	vm1 =	vmxor vm2, vm7;
	v16 =	vsel vm4, $0xFFFFFFFF, v53;
	[tilespmem:$0x1FF10] =	vst v11;
	v11 =	vimm.s32 $0x0  }
0x179: {  	v43 =	vld [tilespmem:s23+$0x100];
	vm10 =	vmor vm15, vm8;
	vm0 =	vmneg vm0;
	v11 =	vsel vm5, $0xFFFFFFFF, v11  }
0x17a: {  	vm1 =	vmneg vm1;
	vm5 =	vgt.f32 v38, $5.000000000e-01;
	[tilespmem:$0x1FF20] =	vst v11;
	v11 =	vimm.s32 $0x0  }
0x17b: {  	v52 =	vld [tilespmem:s30+$0x180];
	vm3 =	vgt.f32 v46, $5.000000000e-01;
	vm11 =	vlt.f32 v6, v44;
	v58 =	vmul.f32 $5.000000000e-01, v49  }
0x17c: {  	v51 =	vld [tilespmem:s23+$0x180];
	[tilespmem:$0x1FF60] =	vst v16;
	v11 =	vsel vm2, $0xFFFFFFFF, v11;
	vm2 =	vmand vm15, vm4;
	vm13 =	vmneg vm3  }
0x17d: {  	s16 =	sadd.s32 $0x40, s16;
	[tilespmem:$0x1FF30] =	vst v11;
	v11 =	vimm.s32 $0x0;
	v16 =	vsel vm2, $0xFFFFFFFF, v54;
	vm4 =	vmxor vm2, vm6  }
0x17e: {  	[tilespmem:s16+$0x10] =	vst v35;
	vm2 =	vgt.f32 v43, $5.000000000e-01;
	v11 =	vsel vm7, $0xFFFFFFFF, v11;
	vm7 =	vlt.f32 v6, v31  }
0x17f: {  	[tilespmem:$0x1FF70] =	vst v16;
	v16 =	vsel vm6, $0xFFFFFFFF, v55;
	vm6 =	vmneg vm5;
	vm12 =	vmneg vm4  }
0x180: {  	vm9 =	vmneg vm2;
	vm4 =	vgt.f32 v52, $5.000000000e-01;
	[tilespmem:$0x1FF80] =	vst v16;
	v16 =	vsel vm7, $0xFFFFFFFF, v59  }
0x181: {  	vm7 =	vmor vm15, vm7;
	[tilespmem:$0x1FF50] =	vst v16;
	v16 =	vsel vm8, $0xFFFFFFFF, v60;
	vm8 =	vgt.f32 v51, $5.000000000e-01  }
0x182: {  	p1 =	slt.u32 s26, $0x7C;
	[tilespmem:$0x1FEF0] =	vst v10;
	vm7 =	vmand vm7, vm0;
	vm0 =	vmand vm6, vm0;
	vm6 =	vmand vm10, vm1  }
.Ltmp4:
0x183: {  	vm1 =	vmand vm9, vm1;
	vm10 =	vmneg vm14;
	[tilespmem:$0x1FF90] =	vst v16;
	v16 =	vsel vm11, $0xFFFFFFFF, v61;
	(pc) =	sbr.rel @p1 .LBB2_6-.Ltmp4, $4  }
0x184: {  	[tilespmem:$0x1FF40] =	vst v11;
	vm11 =	vmor vm15, vm11;
	vm15 =	vlt.f32 v7, v57;
	vm5 =	vmand vm5, vm7  }
0x185: {  	v9 =	vld [tilespmem:s17+$0x80];
	v12 =	vsel vm0, $0xFFFFFFFF, v63;
	[tilespmem:$0x1FFB0] =	vst v16;
	vm9 =	vmand vm11, vm12;
	vm12 =	vmand vm13, vm12  }
0x186: {  	v10 =	vld [tilespmem:s23+$0x80];
	vm7 =	vmand vm14, vm0;
	vm14 =	vlt.f32 v7, v58;
	[tilespmem:$0x1FFD0] =	vst v12;
	v15 =	vsel vm12, $0xFFFFFFFF, v62  }
0x187: {  	s21 =	smov.u32 s16;
	v11 =	vld [tilespmem:s30+$0x80];
	vm11 =	vmneg vm8;
	vm13 =	vlt.f32 v7, v56;
	vm12 =	vmneg vm4;
	[tilespmem:$0x1FFC0] =	vst v15  }
0x188: {  	v53 =	vld [tilespmem:$0x1FFE0]  }
0x189: {  	v54 =	vld [tilespmem:$0x1FF20]  }
0x18a: {  	vm0 =	vmand vm3, vm9;
	v12 =	vimm.s32 $0x0;
	v55 =	vld [tilespmem:$0x1FF40]  }
0x18b: {  	v56 =	vld [tilespmem:$0x1FFD0];
	v12 =	vsel vm0, $0xFFFFFFFF, v12  }
0x18c: {  	v57 =	vld [tilespmem:$0x1FF80];
	[tilespmem:$0x1FEC0] =	vst v12  }
0x18d: {  	vm2 =	vmand vm2, vm6;
	v58 =	vld [tilespmem:$0x1FEC0]  }
0x18e: {  	vm6 =	vmand vm13, vm10;
	v59 =	vld [tilespmem:$0x1FFF0];
	vm13 =	vnez.u8 v53;
	vm10 =	vnez.u8 v54  }
0x18f: {  	vm3 =	vmand vm13, vm10;
	vm10 =	vmand vm15, vm11;
	vm11 =	vnez.u8 v55  }
0x190: {  	v60 =	vld [tilespmem:$0x1FFC0];
	vm5 =	vmor vm3, vm5;
	vm3 =	vmand vm13, vm11  }
0x191: {  	vm9 =	vnez.u8 v56;
	vm3 =	vmor vm3, vm2;
	vm2 =	vnez.u8 v57  }
0x192: {  	vm6 =	vmand vm6, vm9;
	vm0 =	vnez.u8 v58;
	vm9 =	vmand vm13, vm2  }
0x193: {  	vm8 =	vmand vm8, vm1;
	vm2 =	vmor vm9, vm0;
	vm9 =	vnez.u8 v59  }
0x194: {  	v61 =	vld [tilespmem:$0x1FEF0];
	vm8 =	vmand vm9, vm8  }
0x195: {  	v62 =	vld [tilespmem:$0x1FF00];
	vm3 =	vmor vm3, vm8;
	vm8 =	vnez.u8 v60  }
0x196: {  	v63 =	vld [tilespmem:$0x1FF60];
	vm7 =	vmand vm9, vm7;
	vm4 =	vmand vm4, vm8  }
0x197: {  	vm5 =	vmor vm5, vm7;
	vm4 =	vmand vm9, vm4  }
0x198: {  	vm7 =	vgt.f32 v6, v9;
	vm2 =	vmor vm2, vm4;
	vm4 =	vgt.f32 v9, $0.0e+00;
	v9 =	vld [tilespmem:$0x1FF50]  }
0x199: {  	vm11 =	vmand vm14, vm12;
	vm10 =	vmand vm10, vm1  }
0x19a: {  	vm1 =	vnez.u8 v62;
	vm0 =	vmand vm11, vm8;
	vm11 =	vnez.u8 v61  }
0x19b: {  	vm1 =	vmand vm1, vm10;
	vm10 =	vnez.u8 v63;
	vm6 =	vmand vm11, vm6  }
0x19c: {  	vm0 =	vmand vm10, vm0;
	vm11 =	vgt.f32 v10, $0.0e+00;
	vm10 =	vgt.f32 v6, v10  }
0x19d: {  	vm1 =	vmor vm1, vm3;
	vm3 =	vmand vm11, vm10;
	vm10 =	vnez.u8 v9;
	v9 =	vld [tilespmem:$0x1FF90];
	_ =	sdelay $0x3  }
0x19e: {  	vm8 =	vgt.f32 v6, v11;
	vm11 =	vgt.f32 v11, $0.0e+00  }
0x19f: {  	vm0 =	vmor vm0, vm2;
	vm2 =	vmand vm11, vm8;
	vm11 =	vnez.u8 v9;
	v9 =	vld [tilespmem:$0x1FF10];
	_ =	sdelay $0x4  }
0x1a0: {  	vm4 =	vmand vm4, vm7;
	vm7 =	vnez.u8 v9;
	v9 =	vld [tilespmem:$0x1FFB0];
	_ =	sdelay $0x3  }
0x1a1: {  	v10 =	vld [tilespmem:$0x1FF70]  }
0x1a2: {  	vm8 =	vnez.u8 v9;
	v9 =	vld [tilespmem:$0x1FF30]  }
0x1a3: {  	vm5 =	vmor vm6, vm5  }
0x1a4: {  	vm1 =	vmor vm3, vm1;
	vm4 =	vmor vm4, vm5  }
0x1a5: {  	s0 =	sadd.s32 $0x1, s0;
	vm0 =	vmor vm2, vm0;
	vm3 =	vmor vm4, vm10;
	vm1 =	vmor vm1, vm11  }
0x1a6: {  	p1 =	slt.s32 s0, s10;
	vm11 =	vnez.u8 v10;
	vm2 =	vmor vm7, vm3;
	vm0 =	vmor vm0, vm8  }
.Ltmp5:
0x1a7: {  	vm0 =	vmor vm11, vm0;
	vm10 =	vnez.u8 v9;
	v9 =	vsel vm2, $0x0, v5;
	(pc) =	sbr.rel @p1 .LBB2_3-.Ltmp5, $4  }
.Ltmp6:
0x1a8: {  	s2 =	sshll.u32 s15, $0x4;
	vm1 =	vmor vm10, vm1;
	[tilespmem:s21+$0xFFFFFFE0] =	vst v9;
	v9 =	vsel vm0, $0x0, v5;
	(pc) =	sbr.rel @!p1 .LBB2_8-.Ltmp6, $4  }
0x1a9: {  	s8 =	sshll.u32 s6, $0xB;
	s30 =	sadd.s32 $0xD, s6;
	s2 =	sand.u32 $0x1FFFFF80, s2;
	v10 =	vsel vm1, $0x0, v5;
	[tilespmem:s21+$0x0] =	vst v9  }
0x1aa: {  	s31 =	sadd.s32 $0x1, s31;
	s8 =	sor.u32 $0x1A000, s8;
	s2 =	sadd.s32 s3, s2;
	[tilespmem:s21+$0xFFFFFFF0] =	vst v10  }
0x1ab: {  	vm12 =	vmmov vm13;
	vm13 =	vmmov vm9;
	[hbm4b:s2+s4] =	stream.linear.scatter [tilespmem:s8], [sflag:s30], $0x800, $0x38;
	[tilespmem:$0x1C080] =	vst v63  }
0x1ac: {  	_ = 	snop  }
.LBB2_9:
0x1ad: {  	_ =	sfence.sel $0x180000  }
0x1ae: {  	[bflag:$0x0] =	sbarrier.arrive $0xFFFF  }
0x1af: {  	_ =	strace $0x90000047  }
0x1b0: {  	s0 =	stileid.u32;
	[bflag:$0x2] =	sbarrier.arrive $0xFFFF  }
0x1b1: {  	p0 =	sne.s32 s0, $0x0;
	s0 =	rddreg [dreg:$0x3]  }
0x1b2: {  	s0 =	sadd.s32 @!p0 $0x100000, s0  }
0x1b3: {  	[sflag:s0] =	ssyncadd.tile.s32 @!p0 $0x1;
	_ =	shalt  }
.Lfunc_end2:
_tile_overlayer_lowered:
.L_overlay_start_2:
0x1b4: {  	(tag) =	ssettag $0x2  }
0x1b5: {  	s0 =	rddreg [dreg:$0x0];
	s2 =	stileid.u32  }
0x1b6: {  	s1 =	rddreg [dreg:$0x1];
	p0 =	sne.s32 s2, $0x0  }
0x1b7: {  	s3 =	rddreg [dreg:$0x2];
	[bflag:$0x3] =	sbarrier.arrive $0xFFFF;
	s2 =	simm.s32 @!p0 $0x1C11  }
0x1b8: {  	[timem:s3], [sflag:s2] =	dma.local @!p0 [hbm:s0], s1  }
0x1b9: {  	s0 =	simm.s32 @!p0 $0x11  }
0x1ba: {  	_ =	swait.ge @!p0 [sflag:s0], s1  }
0x1bb: {  	s1 =	ssub.s32 @!p0 $0x0, s1;
	[sflag:s0] =	ssyncset.done @!p0 $0x0  }
0x1bc: {  	[sflag:s0] =	ssyncadd.s32 @!p0 s1  }
0x1bd: {  	[bflag:$0x3] =	sbarrier.arrive $0xFFFF  }
0x1be: {  	_ =	shalt  }

</sc_bundles>
